<compile_context>
chip_gen: v7x
topology: tpu7x:2x2x1
jax: 0.10.2.dev20260603
libtpu: 0.0.44.dev20260713+nightly
codegen_flags: <defaults>
</compile_context>

<pallas_src>
import functools
import math

import jax
import jax.numpy as jnp
from jax import lax
from jax.experimental import pallas as pl
from jax.experimental.pallas import tpu as pltpu
from jax.experimental.pallas import tpu_sc as plsc

VOCAB = 1000000
EMBED = 64
MAXLEN = 200
PAD = 0
B = 4096
L = 200

NC = 2
NS = 16
NW = NC * NS

LANES = 16
BBLK = 128
LT = L // 8
DEPTH = 8
SCALE = math.sqrt(float(EMBED))


def r_prev(l):
    return lax.rem(l + (DEPTH - 1), DEPTH)


def _make_pos_embed(max_length, embed_size):
    t = jnp.arange(1, max_length + 1, dtype=jnp.float32)
    omega = jnp.arange(1, embed_size // 2 + 1, dtype=jnp.float32) / embed_size
    wt = t[:, None] * jnp.power(10000.0, -omega)[None, :]
    pos = jnp.zeros((max_length, embed_size), dtype=jnp.float32)
    pos = pos.at[:, 0::2].set(jnp.sin(wt))
    pos = pos.at[:, 1::2].set(jnp.cos(wt))
    return pos


def _body(x4_hbm, table_hbm, posb_hbm, out5_hbm, idxw, g, o, pb,
          sem_g, sem_p, sem_o):
    wid = lax.axis_index("s") * NC + lax.axis_index("c")

    pltpu.sync_copy(x4_hbm.at[:, wid], idxw)

    def fire(l, r):
        pltpu.async_copy(table_hbm.at[idxw.at[l // 8, l % 8]], g.at[r],
                         sem_g)
        pltpu.async_copy(posb_hbm.at[l], pb.at[r], sem_p)

    for lp in range(DEPTH - 1):
        fire(lp, lp)

    def l_body(l, carry):
        lt = l // 8
        lr = l % 8
        r = lax.rem(l, DEPTH)
        ro = lax.rem(l, 2)

        @pl.when(l < L - (DEPTH - 1))
        def _():
            fire(l + (DEPTH - 1), r_prev(l))

        pltpu.make_async_copy(table_hbm.at[pl.ds(0, BBLK)], g.at[r],
                              sem_g).wait()
        pltpu.make_async_copy(posb_hbm.at[0], pb.at[r], sem_p).wait()

        @pl.when(l >= 2)
        def _():
            pltpu.make_async_copy(o.at[ro], out5_hbm.at[0, :, 0],
                                  sem_o).wait()

        sv = []
        for j in range(BBLK // LANES):
            iv = idxw[lt, lr, pl.ds(j * LANES, LANES)]
            sv.append(jnp.where(iv == PAD, jnp.float32(0.0),
                                jnp.float32(SCALE)))

        iot = lax.iota(jnp.int32, LANES)
        rv = lax.broadcast(r, (LANES,))
        rov = lax.broadcast(ro, (LANES,))
        rows_j = [iot + (j * LANES) for j in range(BBLK // LANES)]

        def e_body(e, carry2):
            cvec = lax.bitwise_and(iot + e, jnp.int32(EMBED - 1))
            etv = lax.shift_right_logical(cvec, 3)
            erv = lax.bitwise_and(cvec, jnp.int32(7))
            pe = pb[r, e]
            gvs = [plsc.load_gather(g, [rv, rows_j[j], cvec])
                   for j in range(BBLK // LANES)]
            vals = [gvs[j] * sv[j] + pe for j in range(BBLK // LANES)]
            for j in range(BBLK // LANES):
                plsc.store_scatter(o, [rov, etv, erv, rows_j[j]], vals[j])
            return carry2

        lax.fori_loop(0, EMBED, e_body, 0, unroll=2)

        pltpu.async_copy(o.at[ro], out5_hbm.at[l, :, wid], sem_o)
        return carry

    lax.fori_loop(0, L, l_body, 0)

    for _ in range(2):
        pltpu.make_async_copy(o.at[0], out5_hbm.at[0, :, 0], sem_o).wait()


@functools.lru_cache(maxsize=None)
def _emb_call():
    return functools.partial(
        pl.kernel,
        out_type=jax.ShapeDtypeStruct((L, EMBED // 8, B // BBLK, 8, BBLK),
                                      jnp.float32),
        mesh=plsc.VectorSubcoreMesh(
            core_axis_name="c", subcore_axis_name="s",
            num_cores=NC, num_subcores=NS),
        scratch_types=[
            pltpu.VMEM((LT, 8, BBLK), jnp.int32),
            pltpu.VMEM((DEPTH, BBLK, EMBED), jnp.float32),
            pltpu.VMEM((2, EMBED // 8, 8, BBLK), jnp.float32),
            pltpu.VMEM((DEPTH, EMBED, LANES), jnp.float32),
            pltpu.SemaphoreType.DMA,
            pltpu.SemaphoreType.DMA,
            pltpu.SemaphoreType.DMA,
        ],
        compiler_params=pltpu.CompilerParams(use_tc_tiling_on_sc=False,
                                             needs_layout_passes=False),
    )(_body)


def kernel(x, table):
    x4 = (x.astype(jnp.int32)
          .reshape(B // BBLK, BBLK, LT, 8)
          .transpose(2, 0, 3, 1))
    pos = _make_pos_embed(MAXLEN, EMBED)[:L]
    ecol = (jnp.arange(EMBED)[:, None] + jnp.arange(LANES)[None, :]) % EMBED
    posb = pos[:, ecol]
    out5 = _emb_call()(x4, table, posb)
    return out5.transpose(2, 4, 0, 1, 3).reshape(B, L, EMBED)

# --- scband reference (transcript-rebuilt; emitter-appended) ---
"""Pipeline reference for scband-embedding-54004918780708 (READ-ONLY COPY).

The authoritative reference and input builder live on the scoring server;
editing this copy changes nothing except your own understanding.
"""

import jax, jax.numpy as jnp
import numpy as np
import math

VOCAB = 1000000
EMBED = 64
MAXLEN = 200
PAD = 0
B = 4096
L = 200


def make_pos_embed(max_length, embed_size):
    t = jnp.arange(1, max_length + 1, dtype=jnp.float32)
    omega = jnp.arange(1, embed_size // 2 + 1, dtype=jnp.float32) / embed_size
    wt = t[:, None] * jnp.power(10000.0, -omega)[None, :]
    pos_embed = jnp.zeros((1, max_length, embed_size), dtype=jnp.float32)
    pos_embed = pos_embed.at[0, :, 0::2].set(jnp.sin(wt))
    pos_embed = pos_embed.at[0, :, 1::2].set(jnp.cos(wt))
    return pos_embed


def setup_inputs(seed: int = 0) -> dict:
    key = jax.random.key(seed)
    k1, k2 = jax.random.split(key)
    x = jax.random.randint(k1, (B, L), 0, VOCAB, dtype=jnp.int64 if jax.config.read('jax_enable_x64') else jnp.int32)
    table = jax.random.normal(k2, (VOCAB, EMBED), dtype=jnp.float32)
    return {"x": x, "table": table}


def reference(x, table):
    # torch.nn.Embedding with padding_idx=PAD: row PAD is zero
    t = table.at[PAD].set(0.0)
    word_embed = jnp.take(t, x, axis=0) * jnp.sqrt(jnp.float32(EMBED))
    pos_embed = make_pos_embed(MAXLEN, EMBED)[:, :x.shape[1]]
    result = word_embed + pos_embed
    # dropout(p=0.1) is identity in eval mode
    return result

if __name__ == "__main__":
    import jax
    _d = setup_inputs()
    print(jax.jit(kernel)(*tuple(_d.values())))

</pallas_src>

<mosaic_0001>
#map = affine_map<(d0, d1) -> (0, 0, 0, 0)>
#map1 = affine_map<(d0, d1) -> (0, 0)>
#map2 = affine_map<(d0, d1) -> (0, 0, 0)>
#map3 = affine_map<(d0, d1) -> (0, 0, 0, 0, 0)>
module attributes {stable_mosaic.version = 14 : i64} {
  func.func @_body(%arg0: i32, %arg1: i32, %arg2: memref<25x32x8x128xi32, #tpu.memory_space<hbm>>, %arg3: memref<1000000x64xf32, #tpu.memory_space<hbm>>, %arg4: memref<200x64x16xf32, #tpu.memory_space<hbm>>, %arg5: memref<200x8x32x8x128xf32, #tpu.memory_space<hbm>>, %arg6: memref<25x8x128xi32, #tpu.memory_space<vmem>>, %arg7: memref<8x128x64xf32, #tpu.memory_space<vmem>>, %arg8: memref<2x8x8x128xf32, #tpu.memory_space<vmem>>, %arg9: memref<8x64x16xf32, #tpu.memory_space<vmem>>, %arg10: memref<!tpu.dma_semaphore, #tpu.memory_space<semaphore_mem>>, %arg11: memref<!tpu.dma_semaphore, #tpu.memory_space<semaphore_mem>>, %arg12: memref<!tpu.dma_semaphore, #tpu.memory_space<semaphore_mem>>) attributes {dimension_semantics = [#tpu.dimension_semantics<core_parallel>, #tpu.dimension_semantics<subcore_parallel>], iteration_bounds = array<i64: 2, 16>, scalar_prefetch = 0 : i64, scratch_operands = 7 : i64, tpu.core_type = #tpu.core_type<sc_vector_subcore>, window_params = [{transform_indices = #map}, {transform_indices = #map1}, {transform_indices = #map2}, {transform_indices = #map3}]} {
    %mul3A = arith.constant 2 : i32
    %mul3A_0 = arith.muli %arg1, %mul3A : i32
    %add3A = arith.addi %mul3A_0, %arg0 : i32
    "tpu.region"() ({
      %run_scoped3A = tpu.sem_alloc : memref<!tpu.dma_semaphore, #tpu.memory_space<semaphore_mem>>
      %dma_start3A_267 = arith.constant 0 : i32
      %dma_start3A_268 = arith.constant 0 : i32
      %dma_start3A_269 = arith.constant 0 : i32
      %dma_start3A_270 = tpu.memref_slice %arg2[%dma_start3A_267, %add3A, %dma_start3A_268, %dma_start3A_269] : memref<25x32x8x128xi32, #tpu.memory_space<hbm>> -> memref<25x1x8x128xi32, #tpu.memory_space<hbm>>
      %dma_start3A_271 = tpu.memref_squeeze %dma_start3A_270 : memref<25x1x8x128xi32, #tpu.memory_space<hbm>> -> memref<25x8x128xi32, #tpu.memory_space<hbm>>
      %dma_start3A_272 = arith.constant 0 : i32
      %dma_start3A_273 = arith.constant 0 : i32
      %dma_start3A_274 = arith.constant 0 : i32
      %dma_start3A_275 = tpu.memref_slice %arg2[%dma_start3A_272, %add3A, %dma_start3A_273, %dma_start3A_274] : memref<25x32x8x128xi32, #tpu.memory_space<hbm>> -> memref<25x1x8x128xi32, #tpu.memory_space<hbm>>
      %dma_start3A_276 = tpu.memref_squeeze %dma_start3A_275 : memref<25x1x8x128xi32, #tpu.memory_space<hbm>> -> memref<25x8x128xi32, #tpu.memory_space<hbm>>
      tpu.enqueue_dma source(%dma_start3A_276 : memref<25x8x128xi32, #tpu.memory_space<hbm>>) target(%arg6 : memref<25x8x128xi32, #tpu.memory_space<vmem>>) target_semaphore(%run_scoped3A : memref<!tpu.dma_semaphore, #tpu.memory_space<semaphore_mem>>)
      %dma_wait3A_277 = arith.constant 0 : i32
      %dma_wait3A_278 = arith.constant 0 : i32
      %dma_wait3A_279 = arith.constant 0 : i32
      %dma_wait3A_280 = tpu.memref_slice %arg2[%dma_wait3A_277, %add3A, %dma_wait3A_278, %dma_wait3A_279] : memref<25x32x8x128xi32, #tpu.memory_space<hbm>> -> memref<25x1x8x128xi32, #tpu.memory_space<hbm>>
      %dma_wait3A_281 = tpu.memref_squeeze %dma_wait3A_280 : memref<25x1x8x128xi32, #tpu.memory_space<hbm>> -> memref<25x8x128xi32, #tpu.memory_space<hbm>>
      %dma_wait3A_282 = arith.constant 0 : i32
      %dma_wait3A_283 = arith.constant 0 : i32
      %dma_wait3A_284 = arith.constant 0 : i32
      %dma_wait3A_285 = tpu.memref_slice %arg2[%dma_wait3A_282, %add3A, %dma_wait3A_283, %dma_wait3A_284] : memref<25x32x8x128xi32, #tpu.memory_space<hbm>> -> memref<25x1x8x128xi32, #tpu.memory_space<hbm>>
      %dma_wait3A_286 = tpu.memref_squeeze %dma_wait3A_285 : memref<25x1x8x128xi32, #tpu.memory_space<hbm>> -> memref<25x8x128xi32, #tpu.memory_space<hbm>>
      tpu.wait_dma2 semaphore(%run_scoped3A : memref<!tpu.dma_semaphore, #tpu.memory_space<semaphore_mem>>) src(%dma_wait3A_286 : memref<25x8x128xi32, #tpu.memory_space<hbm>>) dst(%arg6 : memref<25x8x128xi32, #tpu.memory_space<vmem>>)
      tpu.yield
    }) : () -> ()
    %dma_start3A = arith.constant 0 : i32
    %dma_start3A_1 = arith.constant 0 : i32
    %dma_start3A_2 = arith.constant 0 : i32
    %dma_start3A_3 = arith.constant 0 : i32
    %dma_start3A_4 = arith.constant 0 : i32
    %dma_start3A_5 = tpu.memref_slice %arg7[%dma_start3A_2, %dma_start3A_3, %dma_start3A_4] : memref<8x128x64xf32, #tpu.memory_space<vmem>> -> memref<1x128x64xf32, #tpu.memory_space<vmem>>
    %dma_start3A_6 = tpu.memref_squeeze %dma_start3A_5 : memref<1x128x64xf32, #tpu.memory_space<vmem>> -> memref<128x64xf32, #tpu.memory_space<vmem>>
    %dma_start3A_7 = arith.constant 0 : i32
    %dma_start3A_8 = tpu.memref_slice %arg6[%dma_start3A, %dma_start3A_1, %dma_start3A_7] : memref<25x8x128xi32, #tpu.memory_space<vmem>> -> memref<1x1x128xi32, #tpu.memory_space<vmem>>
    %dma_start3A_9 = tpu.memref_squeeze %dma_start3A_8 : memref<1x1x128xi32, #tpu.memory_space<vmem>> -> memref<128xi32, #tpu.memory_space<vmem>>
    %dma_start3A_10 = arith.constant 0 : i32
    %dma_start3A_11 = arith.constant 0 : i32
    %dma_start3A_12 = tpu.memref_slice %arg3[%dma_start3A_10, %dma_start3A_11] : memref<1000000x64xf32, #tpu.memory_space<hbm>> -> memref<1000000x64xf32, #tpu.memory_space<hbm>>
    tpu.enqueue_indirect_dma source(%dma_start3A_12 : memref<1000000x64xf32, #tpu.memory_space<hbm>>) target(%dma_start3A_6 : memref<128x64xf32, #tpu.memory_space<vmem>>) offsets(%dma_start3A_9 : memref<128xi32, #tpu.memory_space<vmem>>) semaphore(%arg10 : memref<!tpu.dma_semaphore, #tpu.memory_space<semaphore_mem>>)
    %dma_start3A_13 = arith.constant 0 : i32
    %dma_start3A_14 = arith.constant 0 : i32
    %dma_start3A_15 = arith.constant 0 : i32
    %dma_start3A_16 = arith.constant 0 : i32
    %dma_start3A_17 = tpu.memref_slice %arg9[%dma_start3A_14, %dma_start3A_15, %dma_start3A_16] : memref<8x64x16xf32, #tpu.memory_space<vmem>> -> memref<1x64x16xf32, #tpu.memory_space<vmem>>
    %dma_start3A_18 = tpu.memref_squeeze %dma_start3A_17 : memref<1x64x16xf32, #tpu.memory_space<vmem>> -> memref<64x16xf32, #tpu.memory_space<vmem>>
    %dma_start3A_19 = arith.constant 0 : i32
    %dma_start3A_20 = arith.constant 0 : i32
    %dma_start3A_21 = tpu.memref_slice %arg4[%dma_start3A_13, %dma_start3A_19, %dma_start3A_20] : memref<200x64x16xf32, #tpu.memory_space<hbm>> -> memref<1x64x16xf32, #tpu.memory_space<hbm>>
    %dma_start3A_22 = tpu.memref_squeeze %dma_start3A_21 : memref<1x64x16xf32, #tpu.memory_space<hbm>> -> memref<64x16xf32, #tpu.memory_space<hbm>>
    %dma_start3A_23 = arith.constant 0 : i32
    %dma_start3A_24 = arith.constant 0 : i32
    %dma_start3A_25 = tpu.memref_slice %arg9[%dma_start3A_14, %dma_start3A_23, %dma_start3A_24] : memref<8x64x16xf32, #tpu.memory_space<vmem>> -> memref<1x64x16xf32, #tpu.memory_space<vmem>>
    %dma_start3A_26 = tpu.memref_squeeze %dma_start3A_25 : memref<1x64x16xf32, #tpu.memory_space<vmem>> -> memref<64x16xf32, #tpu.memory_space<vmem>>
    %dma_start3A_27 = arith.constant 0 : i32
    %dma_start3A_28 = arith.constant 0 : i32
    %dma_start3A_29 = tpu.memref_slice %arg4[%dma_start3A_13, %dma_start3A_27, %dma_start3A_28] : memref<200x64x16xf32, #tpu.memory_space<hbm>> -> memref<1x64x16xf32, #tpu.memory_space<hbm>>
    %dma_start3A_30 = tpu.memref_squeeze %dma_start3A_29 : memref<1x64x16xf32, #tpu.memory_space<hbm>> -> memref<64x16xf32, #tpu.memory_space<hbm>>
    tpu.enqueue_dma source(%dma_start3A_30 : memref<64x16xf32, #tpu.memory_space<hbm>>) target(%dma_start3A_26 : memref<64x16xf32, #tpu.memory_space<vmem>>) target_semaphore(%arg11 : memref<!tpu.dma_semaphore, #tpu.memory_space<semaphore_mem>>)
    %dma_start3A_31 = arith.constant 0 : i32
    %dma_start3A_32 = arith.constant 1 : i32
    %dma_start3A_33 = arith.constant 1 : i32
    %dma_start3A_34 = arith.constant 0 : i32
    %dma_start3A_35 = arith.constant 0 : i32
    %dma_start3A_36 = tpu.memref_slice %arg7[%dma_start3A_33, %dma_start3A_34, %dma_start3A_35] : memref<8x128x64xf32, #tpu.memory_space<vmem>> -> memref<1x128x64xf32, #tpu.memory_space<vmem>>
    %dma_start3A_37 = tpu.memref_squeeze %dma_start3A_36 : memref<1x128x64xf32, #tpu.memory_space<vmem>> -> memref<128x64xf32, #tpu.memory_space<vmem>>
    %dma_start3A_38 = arith.constant 0 : i32
    %dma_start3A_39 = tpu.memref_slice %arg6[%dma_start3A_31, %dma_start3A_32, %dma_start3A_38] : memref<25x8x128xi32, #tpu.memory_space<vmem>> -> memref<1x1x128xi32, #tpu.memory_space<vmem>>
    %dma_start3A_40 = tpu.memref_squeeze %dma_start3A_39 : memref<1x1x128xi32, #tpu.memory_space<vmem>> -> memref<128xi32, #tpu.memory_space<vmem>>
    %dma_start3A_41 = arith.constant 0 : i32
    %dma_start3A_42 = arith.constant 0 : i32
    %dma_start3A_43 = tpu.memref_slice %arg3[%dma_start3A_41, %dma_start3A_42] : memref<1000000x64xf32, #tpu.memory_space<hbm>> -> memref<1000000x64xf32, #tpu.memory_space<hbm>>
    tpu.enqueue_indirect_dma source(%dma_start3A_43 : memref<1000000x64xf32, #tpu.memory_space<hbm>>) target(%dma_start3A_37 : memref<128x64xf32, #tpu.memory_space<vmem>>) offsets(%dma_start3A_40 : memref<128xi32, #tpu.memory_space<vmem>>) semaphore(%arg10 : memref<!tpu.dma_semaphore, #tpu.memory_space<semaphore_mem>>)
    %dma_start3A_44 = arith.constant 1 : i32
    %dma_start3A_45 = arith.constant 1 : i32
    %dma_start3A_46 = arith.constant 0 : i32
    %dma_start3A_47 = arith.constant 0 : i32
    %dma_start3A_48 = tpu.memref_slice %arg9[%dma_start3A_45, %dma_start3A_46, %dma_start3A_47] : memref<8x64x16xf32, #tpu.memory_space<vmem>> -> memref<1x64x16xf32, #tpu.memory_space<vmem>>
    %dma_start3A_49 = tpu.memref_squeeze %dma_start3A_48 : memref<1x64x16xf32, #tpu.memory_space<vmem>> -> memref<64x16xf32, #tpu.memory_space<vmem>>
    %dma_start3A_50 = arith.constant 0 : i32
    %dma_start3A_51 = arith.constant 0 : i32
    %dma_start3A_52 = tpu.memref_slice %arg4[%dma_start3A_44, %dma_start3A_50, %dma_start3A_51] : memref<200x64x16xf32, #tpu.memory_space<hbm>> -> memref<1x64x16xf32, #tpu.memory_space<hbm>>
    %dma_start3A_53 = tpu.memref_squeeze %dma_start3A_52 : memref<1x64x16xf32, #tpu.memory_space<hbm>> -> memref<64x16xf32, #tpu.memory_space<hbm>>
    %dma_start3A_54 = arith.constant 0 : i32
    %dma_start3A_55 = arith.constant 0 : i32
    %dma_start3A_56 = tpu.memref_slice %arg9[%dma_start3A_45, %dma_start3A_54, %dma_start3A_55] : memref<8x64x16xf32, #tpu.memory_space<vmem>> -> memref<1x64x16xf32, #tpu.memory_space<vmem>>
    %dma_start3A_57 = tpu.memref_squeeze %dma_start3A_56 : memref<1x64x16xf32, #tpu.memory_space<vmem>> -> memref<64x16xf32, #tpu.memory_space<vmem>>
    %dma_start3A_58 = arith.constant 0 : i32
    %dma_start3A_59 = arith.constant 0 : i32
    %dma_start3A_60 = tpu.memref_slice %arg4[%dma_start3A_44, %dma_start3A_58, %dma_start3A_59] : memref<200x64x16xf32, #tpu.memory_space<hbm>> -> memref<1x64x16xf32, #tpu.memory_space<hbm>>
    %dma_start3A_61 = tpu.memref_squeeze %dma_start3A_60 : memref<1x64x16xf32, #tpu.memory_space<hbm>> -> memref<64x16xf32, #tpu.memory_space<hbm>>
    tpu.enqueue_dma source(%dma_start3A_61 : memref<64x16xf32, #tpu.memory_space<hbm>>) target(%dma_start3A_57 : memref<64x16xf32, #tpu.memory_space<vmem>>) target_semaphore(%arg11 : memref<!tpu.dma_semaphore, #tpu.memory_space<semaphore_mem>>)
    %dma_start3A_62 = arith.constant 0 : i32
    %dma_start3A_63 = arith.constant 2 : i32
    %dma_start3A_64 = arith.constant 2 : i32
    %dma_start3A_65 = arith.constant 0 : i32
    %dma_start3A_66 = arith.constant 0 : i32
    %dma_start3A_67 = tpu.memref_slice %arg7[%dma_start3A_64, %dma_start3A_65, %dma_start3A_66] : memref<8x128x64xf32, #tpu.memory_space<vmem>> -> memref<1x128x64xf32, #tpu.memory_space<vmem>>
    %dma_start3A_68 = tpu.memref_squeeze %dma_start3A_67 : memref<1x128x64xf32, #tpu.memory_space<vmem>> -> memref<128x64xf32, #tpu.memory_space<vmem>>
    %dma_start3A_69 = arith.constant 0 : i32
    %dma_start3A_70 = tpu.memref_slice %arg6[%dma_start3A_62, %dma_start3A_63, %dma_start3A_69] : memref<25x8x128xi32, #tpu.memory_space<vmem>> -> memref<1x1x128xi32, #tpu.memory_space<vmem>>
    %dma_start3A_71 = tpu.memref_squeeze %dma_start3A_70 : memref<1x1x128xi32, #tpu.memory_space<vmem>> -> memref<128xi32, #tpu.memory_space<vmem>>
    %dma_start3A_72 = arith.constant 0 : i32
    %dma_start3A_73 = arith.constant 0 : i32
    %dma_start3A_74 = tpu.memref_slice %arg3[%dma_start3A_72, %dma_start3A_73] : memref<1000000x64xf32, #tpu.memory_space<hbm>> -> memref<1000000x64xf32, #tpu.memory_space<hbm>>
    tpu.enqueue_indirect_dma source(%dma_start3A_74 : memref<1000000x64xf32, #tpu.memory_space<hbm>>) target(%dma_start3A_68 : memref<128x64xf32, #tpu.memory_space<vmem>>) offsets(%dma_start3A_71 : memref<128xi32, #tpu.memory_space<vmem>>) semaphore(%arg10 : memref<!tpu.dma_semaphore, #tpu.memory_space<semaphore_mem>>)
    %dma_start3A_75 = arith.constant 2 : i32
    %dma_start3A_76 = arith.constant 2 : i32
    %dma_start3A_77 = arith.constant 0 : i32
    %dma_start3A_78 = arith.constant 0 : i32
    %dma_start3A_79 = tpu.memref_slice %arg9[%dma_start3A_76, %dma_start3A_77, %dma_start3A_78] : memref<8x64x16xf32, #tpu.memory_space<vmem>> -> memref<1x64x16xf32, #tpu.memory_space<vmem>>
    %dma_start3A_80 = tpu.memref_squeeze %dma_start3A_79 : memref<1x64x16xf32, #tpu.memory_space<vmem>> -> memref<64x16xf32, #tpu.memory_space<vmem>>
    %dma_start3A_81 = arith.constant 0 : i32
    %dma_start3A_82 = arith.constant 0 : i32
    %dma_start3A_83 = tpu.memref_slice %arg4[%dma_start3A_75, %dma_start3A_81, %dma_start3A_82] : memref<200x64x16xf32, #tpu.memory_space<hbm>> -> memref<1x64x16xf32, #tpu.memory_space<hbm>>
    %dma_start3A_84 = tpu.memref_squeeze %dma_start3A_83 : memref<1x64x16xf32, #tpu.memory_space<hbm>> -> memref<64x16xf32, #tpu.memory_space<hbm>>
    %dma_start3A_85 = arith.constant 0 : i32
    %dma_start3A_86 = arith.constant 0 : i32
    %dma_start3A_87 = tpu.memref_slice %arg9[%dma_start3A_76, %dma_start3A_85, %dma_start3A_86] : memref<8x64x16xf32, #tpu.memory_space<vmem>> -> memref<1x64x16xf32, #tpu.memory_space<vmem>>
    %dma_start3A_88 = tpu.memref_squeeze %dma_start3A_87 : memref<1x64x16xf32, #tpu.memory_space<vmem>> -> memref<64x16xf32, #tpu.memory_space<vmem>>
    %dma_start3A_89 = arith.constant 0 : i32
    %dma_start3A_90 = arith.constant 0 : i32
    %dma_start3A_91 = tpu.memref_slice %arg4[%dma_start3A_75, %dma_start3A_89, %dma_start3A_90] : memref<200x64x16xf32, #tpu.memory_space<hbm>> -> memref<1x64x16xf32, #tpu.memory_space<hbm>>
    %dma_start3A_92 = tpu.memref_squeeze %dma_start3A_91 : memref<1x64x16xf32, #tpu.memory_space<hbm>> -> memref<64x16xf32, #tpu.memory_space<hbm>>
    tpu.enqueue_dma source(%dma_start3A_92 : memref<64x16xf32, #tpu.memory_space<hbm>>) target(%dma_start3A_88 : memref<64x16xf32, #tpu.memory_space<vmem>>) target_semaphore(%arg11 : memref<!tpu.dma_semaphore, #tpu.memory_space<semaphore_mem>>)
    %dma_start3A_93 = arith.constant 0 : i32
    %dma_start3A_94 = arith.constant 3 : i32
    %dma_start3A_95 = arith.constant 3 : i32
    %dma_start3A_96 = arith.constant 0 : i32
    %dma_start3A_97 = arith.constant 0 : i32
    %dma_start3A_98 = tpu.memref_slice %arg7[%dma_start3A_95, %dma_start3A_96, %dma_start3A_97] : memref<8x128x64xf32, #tpu.memory_space<vmem>> -> memref<1x128x64xf32, #tpu.memory_space<vmem>>
    %dma_start3A_99 = tpu.memref_squeeze %dma_start3A_98 : memref<1x128x64xf32, #tpu.memory_space<vmem>> -> memref<128x64xf32, #tpu.memory_space<vmem>>
    %dma_start3A_100 = arith.constant 0 : i32
    %dma_start3A_101 = tpu.memref_slice %arg6[%dma_start3A_93, %dma_start3A_94, %dma_start3A_100] : memref<25x8x128xi32, #tpu.memory_space<vmem>> -> memref<1x1x128xi32, #tpu.memory_space<vmem>>
    %dma_start3A_102 = tpu.memref_squeeze %dma_start3A_101 : memref<1x1x128xi32, #tpu.memory_space<vmem>> -> memref<128xi32, #tpu.memory_space<vmem>>
    %dma_start3A_103 = arith.constant 0 : i32
    %dma_start3A_104 = arith.constant 0 : i32
    %dma_start3A_105 = tpu.memref_slice %arg3[%dma_start3A_103, %dma_start3A_104] : memref<1000000x64xf32, #tpu.memory_space<hbm>> -> memref<1000000x64xf32, #tpu.memory_space<hbm>>
    tpu.enqueue_indirect_dma source(%dma_start3A_105 : memref<1000000x64xf32, #tpu.memory_space<hbm>>) target(%dma_start3A_99 : memref<128x64xf32, #tpu.memory_space<vmem>>) offsets(%dma_start3A_102 : memref<128xi32, #tpu.memory_space<vmem>>) semaphore(%arg10 : memref<!tpu.dma_semaphore, #tpu.memory_space<semaphore_mem>>)
    %dma_start3A_106 = arith.constant 3 : i32
    %dma_start3A_107 = arith.constant 3 : i32
    %dma_start3A_108 = arith.constant 0 : i32
    %dma_start3A_109 = arith.constant 0 : i32
    %dma_start3A_110 = tpu.memref_slice %arg9[%dma_start3A_107, %dma_start3A_108, %dma_start3A_109] : memref<8x64x16xf32, #tpu.memory_space<vmem>> -> memref<1x64x16xf32, #tpu.memory_space<vmem>>
    %dma_start3A_111 = tpu.memref_squeeze %dma_start3A_110 : memref<1x64x16xf32, #tpu.memory_space<vmem>> -> memref<64x16xf32, #tpu.memory_space<vmem>>
    %dma_start3A_112 = arith.constant 0 : i32
    %dma_start3A_113 = arith.constant 0 : i32
    %dma_start3A_114 = tpu.memref_slice %arg4[%dma_start3A_106, %dma_start3A_112, %dma_start3A_113] : memref<200x64x16xf32, #tpu.memory_space<hbm>> -> memref<1x64x16xf32, #tpu.memory_space<hbm>>
    %dma_start3A_115 = tpu.memref_squeeze %dma_start3A_114 : memref<1x64x16xf32, #tpu.memory_space<hbm>> -> memref<64x16xf32, #tpu.memory_space<hbm>>
    %dma_start3A_116 = arith.constant 0 : i32
    %dma_start3A_117 = arith.constant 0 : i32
    %dma_start3A_118 = tpu.memref_slice %arg9[%dma_start3A_107, %dma_start3A_116, %dma_start3A_117] : memref<8x64x16xf32, #tpu.memory_space<vmem>> -> memref<1x64x16xf32, #tpu.memory_space<vmem>>
    %dma_start3A_119 = tpu.memref_squeeze %dma_start3A_118 : memref<1x64x16xf32, #tpu.memory_space<vmem>> -> memref<64x16xf32, #tpu.memory_space<vmem>>
    %dma_start3A_120 = arith.constant 0 : i32
    %dma_start3A_121 = arith.constant 0 : i32
    %dma_start3A_122 = tpu.memref_slice %arg4[%dma_start3A_106, %dma_start3A_120, %dma_start3A_121] : memref<200x64x16xf32, #tpu.memory_space<hbm>> -> memref<1x64x16xf32, #tpu.memory_space<hbm>>
    %dma_start3A_123 = tpu.memref_squeeze %dma_start3A_122 : memref<1x64x16xf32, #tpu.memory_space<hbm>> -> memref<64x16xf32, #tpu.memory_space<hbm>>
    tpu.enqueue_dma source(%dma_start3A_123 : memref<64x16xf32, #tpu.memory_space<hbm>>) target(%dma_start3A_119 : memref<64x16xf32, #tpu.memory_space<vmem>>) target_semaphore(%arg11 : memref<!tpu.dma_semaphore, #tpu.memory_space<semaphore_mem>>)
    %dma_start3A_124 = arith.constant 0 : i32
    %dma_start3A_125 = arith.constant 4 : i32
    %dma_start3A_126 = arith.constant 4 : i32
    %dma_start3A_127 = arith.constant 0 : i32
    %dma_start3A_128 = arith.constant 0 : i32
    %dma_start3A_129 = tpu.memref_slice %arg7[%dma_start3A_126, %dma_start3A_127, %dma_start3A_128] : memref<8x128x64xf32, #tpu.memory_space<vmem>> -> memref<1x128x64xf32, #tpu.memory_space<vmem>>
    %dma_start3A_130 = tpu.memref_squeeze %dma_start3A_129 : memref<1x128x64xf32, #tpu.memory_space<vmem>> -> memref<128x64xf32, #tpu.memory_space<vmem>>
    %dma_start3A_131 = arith.constant 0 : i32
    %dma_start3A_132 = tpu.memref_slice %arg6[%dma_start3A_124, %dma_start3A_125, %dma_start3A_131] : memref<25x8x128xi32, #tpu.memory_space<vmem>> -> memref<1x1x128xi32, #tpu.memory_space<vmem>>
    %dma_start3A_133 = tpu.memref_squeeze %dma_start3A_132 : memref<1x1x128xi32, #tpu.memory_space<vmem>> -> memref<128xi32, #tpu.memory_space<vmem>>
    %dma_start3A_134 = arith.constant 0 : i32
    %dma_start3A_135 = arith.constant 0 : i32
    %dma_start3A_136 = tpu.memref_slice %arg3[%dma_start3A_134, %dma_start3A_135] : memref<1000000x64xf32, #tpu.memory_space<hbm>> -> memref<1000000x64xf32, #tpu.memory_space<hbm>>
    tpu.enqueue_indirect_dma source(%dma_start3A_136 : memref<1000000x64xf32, #tpu.memory_space<hbm>>) target(%dma_start3A_130 : memref<128x64xf32, #tpu.memory_space<vmem>>) offsets(%dma_start3A_133 : memref<128xi32, #tpu.memory_space<vmem>>) semaphore(%arg10 : memref<!tpu.dma_semaphore, #tpu.memory_space<semaphore_mem>>)
    %dma_start3A_137 = arith.constant 4 : i32
    %dma_start3A_138 = arith.constant 4 : i32
    %dma_start3A_139 = arith.constant 0 : i32
    %dma_start3A_140 = arith.constant 0 : i32
    %dma_start3A_141 = tpu.memref_slice %arg9[%dma_start3A_138, %dma_start3A_139, %dma_start3A_140] : memref<8x64x16xf32, #tpu.memory_space<vmem>> -> memref<1x64x16xf32, #tpu.memory_space<vmem>>
    %dma_start3A_142 = tpu.memref_squeeze %dma_start3A_141 : memref<1x64x16xf32, #tpu.memory_space<vmem>> -> memref<64x16xf32, #tpu.memory_space<vmem>>
    %dma_start3A_143 = arith.constant 0 : i32
    %dma_start3A_144 = arith.constant 0 : i32
    %dma_start3A_145 = tpu.memref_slice %arg4[%dma_start3A_137, %dma_start3A_143, %dma_start3A_144] : memref<200x64x16xf32, #tpu.memory_space<hbm>> -> memref<1x64x16xf32, #tpu.memory_space<hbm>>
    %dma_start3A_146 = tpu.memref_squeeze %dma_start3A_145 : memref<1x64x16xf32, #tpu.memory_space<hbm>> -> memref<64x16xf32, #tpu.memory_space<hbm>>
    %dma_start3A_147 = arith.constant 0 : i32
    %dma_start3A_148 = arith.constant 0 : i32
    %dma_start3A_149 = tpu.memref_slice %arg9[%dma_start3A_138, %dma_start3A_147, %dma_start3A_148] : memref<8x64x16xf32, #tpu.memory_space<vmem>> -> memref<1x64x16xf32, #tpu.memory_space<vmem>>
    %dma_start3A_150 = tpu.memref_squeeze %dma_start3A_149 : memref<1x64x16xf32, #tpu.memory_space<vmem>> -> memref<64x16xf32, #tpu.memory_space<vmem>>
    %dma_start3A_151 = arith.constant 0 : i32
    %dma_start3A_152 = arith.constant 0 : i32
    %dma_start3A_153 = tpu.memref_slice %arg4[%dma_start3A_137, %dma_start3A_151, %dma_start3A_152] : memref<200x64x16xf32, #tpu.memory_space<hbm>> -> memref<1x64x16xf32, #tpu.memory_space<hbm>>
    %dma_start3A_154 = tpu.memref_squeeze %dma_start3A_153 : memref<1x64x16xf32, #tpu.memory_space<hbm>> -> memref<64x16xf32, #tpu.memory_space<hbm>>
    tpu.enqueue_dma source(%dma_start3A_154 : memref<64x16xf32, #tpu.memory_space<hbm>>) target(%dma_start3A_150 : memref<64x16xf32, #tpu.memory_space<vmem>>) target_semaphore(%arg11 : memref<!tpu.dma_semaphore, #tpu.memory_space<semaphore_mem>>)
    %dma_start3A_155 = arith.constant 0 : i32
    %dma_start3A_156 = arith.constant 5 : i32
    %dma_start3A_157 = arith.constant 5 : i32
    %dma_start3A_158 = arith.constant 0 : i32
    %dma_start3A_159 = arith.constant 0 : i32
    %dma_start3A_160 = tpu.memref_slice %arg7[%dma_start3A_157, %dma_start3A_158, %dma_start3A_159] : memref<8x128x64xf32, #tpu.memory_space<vmem>> -> memref<1x128x64xf32, #tpu.memory_space<vmem>>
    %dma_start3A_161 = tpu.memref_squeeze %dma_start3A_160 : memref<1x128x64xf32, #tpu.memory_space<vmem>> -> memref<128x64xf32, #tpu.memory_space<vmem>>
    %dma_start3A_162 = arith.constant 0 : i32
    %dma_start3A_163 = tpu.memref_slice %arg6[%dma_start3A_155, %dma_start3A_156, %dma_start3A_162] : memref<25x8x128xi32, #tpu.memory_space<vmem>> -> memref<1x1x128xi32, #tpu.memory_space<vmem>>
    %dma_start3A_164 = tpu.memref_squeeze %dma_start3A_163 : memref<1x1x128xi32, #tpu.memory_space<vmem>> -> memref<128xi32, #tpu.memory_space<vmem>>
    %dma_start3A_165 = arith.constant 0 : i32
    %dma_start3A_166 = arith.constant 0 : i32
    %dma_start3A_167 = tpu.memref_slice %arg3[%dma_start3A_165, %dma_start3A_166] : memref<1000000x64xf32, #tpu.memory_space<hbm>> -> memref<1000000x64xf32, #tpu.memory_space<hbm>>
    tpu.enqueue_indirect_dma source(%dma_start3A_167 : memref<1000000x64xf32, #tpu.memory_space<hbm>>) target(%dma_start3A_161 : memref<128x64xf32, #tpu.memory_space<vmem>>) offsets(%dma_start3A_164 : memref<128xi32, #tpu.memory_space<vmem>>) semaphore(%arg10 : memref<!tpu.dma_semaphore, #tpu.memory_space<semaphore_mem>>)
    %dma_start3A_168 = arith.constant 5 : i32
    %dma_start3A_169 = arith.constant 5 : i32
    %dma_start3A_170 = arith.constant 0 : i32
    %dma_start3A_171 = arith.constant 0 : i32
    %dma_start3A_172 = tpu.memref_slice %arg9[%dma_start3A_169, %dma_start3A_170, %dma_start3A_171] : memref<8x64x16xf32, #tpu.memory_space<vmem>> -> memref<1x64x16xf32, #tpu.memory_space<vmem>>
    %dma_start3A_173 = tpu.memref_squeeze %dma_start3A_172 : memref<1x64x16xf32, #tpu.memory_space<vmem>> -> memref<64x16xf32, #tpu.memory_space<vmem>>
    %dma_start3A_174 = arith.constant 0 : i32
    %dma_start3A_175 = arith.constant 0 : i32
    %dma_start3A_176 = tpu.memref_slice %arg4[%dma_start3A_168, %dma_start3A_174, %dma_start3A_175] : memref<200x64x16xf32, #tpu.memory_space<hbm>> -> memref<1x64x16xf32, #tpu.memory_space<hbm>>
    %dma_start3A_177 = tpu.memref_squeeze %dma_start3A_176 : memref<1x64x16xf32, #tpu.memory_space<hbm>> -> memref<64x16xf32, #tpu.memory_space<hbm>>
    %dma_start3A_178 = arith.constant 0 : i32
    %dma_start3A_179 = arith.constant 0 : i32
    %dma_start3A_180 = tpu.memref_slice %arg9[%dma_start3A_169, %dma_start3A_178, %dma_start3A_179] : memref<8x64x16xf32, #tpu.memory_space<vmem>> -> memref<1x64x16xf32, #tpu.memory_space<vmem>>
    %dma_start3A_181 = tpu.memref_squeeze %dma_start3A_180 : memref<1x64x16xf32, #tpu.memory_space<vmem>> -> memref<64x16xf32, #tpu.memory_space<vmem>>
    %dma_start3A_182 = arith.constant 0 : i32
    %dma_start3A_183 = arith.constant 0 : i32
    %dma_start3A_184 = tpu.memref_slice %arg4[%dma_start3A_168, %dma_start3A_182, %dma_start3A_183] : memref<200x64x16xf32, #tpu.memory_space<hbm>> -> memref<1x64x16xf32, #tpu.memory_space<hbm>>
    %dma_start3A_185 = tpu.memref_squeeze %dma_start3A_184 : memref<1x64x16xf32, #tpu.memory_space<hbm>> -> memref<64x16xf32, #tpu.memory_space<hbm>>
    tpu.enqueue_dma source(%dma_start3A_185 : memref<64x16xf32, #tpu.memory_space<hbm>>) target(%dma_start3A_181 : memref<64x16xf32, #tpu.memory_space<vmem>>) target_semaphore(%arg11 : memref<!tpu.dma_semaphore, #tpu.memory_space<semaphore_mem>>)
    %dma_start3A_186 = arith.constant 0 : i32
    %dma_start3A_187 = arith.constant 6 : i32
    %dma_start3A_188 = arith.constant 6 : i32
    %dma_start3A_189 = arith.constant 0 : i32
    %dma_start3A_190 = arith.constant 0 : i32
    %dma_start3A_191 = tpu.memref_slice %arg7[%dma_start3A_188, %dma_start3A_189, %dma_start3A_190] : memref<8x128x64xf32, #tpu.memory_space<vmem>> -> memref<1x128x64xf32, #tpu.memory_space<vmem>>
    %dma_start3A_192 = tpu.memref_squeeze %dma_start3A_191 : memref<1x128x64xf32, #tpu.memory_space<vmem>> -> memref<128x64xf32, #tpu.memory_space<vmem>>
    %dma_start3A_193 = arith.constant 0 : i32
    %dma_start3A_194 = tpu.memref_slice %arg6[%dma_start3A_186, %dma_start3A_187, %dma_start3A_193] : memref<25x8x128xi32, #tpu.memory_space<vmem>> -> memref<1x1x128xi32, #tpu.memory_space<vmem>>
    %dma_start3A_195 = tpu.memref_squeeze %dma_start3A_194 : memref<1x1x128xi32, #tpu.memory_space<vmem>> -> memref<128xi32, #tpu.memory_space<vmem>>
    %dma_start3A_196 = arith.constant 0 : i32
    %dma_start3A_197 = arith.constant 0 : i32
    %dma_start3A_198 = tpu.memref_slice %arg3[%dma_start3A_196, %dma_start3A_197] : memref<1000000x64xf32, #tpu.memory_space<hbm>> -> memref<1000000x64xf32, #tpu.memory_space<hbm>>
    tpu.enqueue_indirect_dma source(%dma_start3A_198 : memref<1000000x64xf32, #tpu.memory_space<hbm>>) target(%dma_start3A_192 : memref<128x64xf32, #tpu.memory_space<vmem>>) offsets(%dma_start3A_195 : memref<128xi32, #tpu.memory_space<vmem>>) semaphore(%arg10 : memref<!tpu.dma_semaphore, #tpu.memory_space<semaphore_mem>>)
    %dma_start3A_199 = arith.constant 6 : i32
    %dma_start3A_200 = arith.constant 6 : i32
    %dma_start3A_201 = arith.constant 0 : i32
    %dma_start3A_202 = arith.constant 0 : i32
    %dma_start3A_203 = tpu.memref_slice %arg9[%dma_start3A_200, %dma_start3A_201, %dma_start3A_202] : memref<8x64x16xf32, #tpu.memory_space<vmem>> -> memref<1x64x16xf32, #tpu.memory_space<vmem>>
    %dma_start3A_204 = tpu.memref_squeeze %dma_start3A_203 : memref<1x64x16xf32, #tpu.memory_space<vmem>> -> memref<64x16xf32, #tpu.memory_space<vmem>>
    %dma_start3A_205 = arith.constant 0 : i32
    %dma_start3A_206 = arith.constant 0 : i32
    %dma_start3A_207 = tpu.memref_slice %arg4[%dma_start3A_199, %dma_start3A_205, %dma_start3A_206] : memref<200x64x16xf32, #tpu.memory_space<hbm>> -> memref<1x64x16xf32, #tpu.memory_space<hbm>>
    %dma_start3A_208 = tpu.memref_squeeze %dma_start3A_207 : memref<1x64x16xf32, #tpu.memory_space<hbm>> -> memref<64x16xf32, #tpu.memory_space<hbm>>
    %dma_start3A_209 = arith.constant 0 : i32
    %dma_start3A_210 = arith.constant 0 : i32
    %dma_start3A_211 = tpu.memref_slice %arg9[%dma_start3A_200, %dma_start3A_209, %dma_start3A_210] : memref<8x64x16xf32, #tpu.memory_space<vmem>> -> memref<1x64x16xf32, #tpu.memory_space<vmem>>
    %dma_start3A_212 = tpu.memref_squeeze %dma_start3A_211 : memref<1x64x16xf32, #tpu.memory_space<vmem>> -> memref<64x16xf32, #tpu.memory_space<vmem>>
    %dma_start3A_213 = arith.constant 0 : i32
    %dma_start3A_214 = arith.constant 0 : i32
    %dma_start3A_215 = tpu.memref_slice %arg4[%dma_start3A_199, %dma_start3A_213, %dma_start3A_214] : memref<200x64x16xf32, #tpu.memory_space<hbm>> -> memref<1x64x16xf32, #tpu.memory_space<hbm>>
    %dma_start3A_216 = tpu.memref_squeeze %dma_start3A_215 : memref<1x64x16xf32, #tpu.memory_space<hbm>> -> memref<64x16xf32, #tpu.memory_space<hbm>>
    tpu.enqueue_dma source(%dma_start3A_216 : memref<64x16xf32, #tpu.memory_space<hbm>>) target(%dma_start3A_212 : memref<64x16xf32, #tpu.memory_space<vmem>>) target_semaphore(%arg11 : memref<!tpu.dma_semaphore, #tpu.memory_space<semaphore_mem>>)
    %scan3A = arith.constant 0 : i32
    %scan3A_217 = arith.constant 0 : i32
    %scan3A_218 = arith.constant 200 : i32
    %scan3A_219 = arith.addi %scan3A_217, %scan3A_218 : i32
    %scan3A_220 = arith.constant 1 : i32
    scf.for %scan3A_267 = %scan3A_217 to %scan3A_219 step %scan3A_220  : i32 {
      %jit3A = arith.constant 8 : i32
      %div3A = arith.divsi %scan3A_267, %jit3A : i32
      %sign3A = arith.constant 0 : i32
      %sign3A_268 = arith.cmpi sgt, %scan3A_267, %sign3A : i32
      %sign3A_269 = arith.extui %sign3A_268 : i1 to i32
      %sign3A_270 = arith.constant 0 : i32
      %sign3A_271 = arith.cmpi slt, %scan3A_267, %sign3A_270 : i32
      %sign3A_272 = arith.extui %sign3A_271 : i1 to i32
      %sign3A_273 = arith.subi %sign3A_269, %sign3A_272 : i32
      %sign3A_274 = arith.constant 0 : i32
      %sign3A_275 = arith.cmpi sgt, %jit3A, %sign3A_274 : i32
      %sign3A_276 = arith.extui %sign3A_275 : i1 to i32
      %sign3A_277 = arith.constant 0 : i32
      %sign3A_278 = arith.cmpi slt, %jit3A, %sign3A_277 : i32
      %sign3A_279 = arith.extui %sign3A_278 : i1 to i32
      %sign3A_280 = arith.subi %sign3A_276, %sign3A_279 : i32
      %ne3A = arith.cmpi ne, %sign3A_273, %sign3A_280 : i32
      %rem3A = arith.remsi %scan3A_267, %jit3A : i32
      %ne3A_281 = arith.constant 0 : i32
      %ne3A_282 = arith.cmpi ne, %rem3A, %ne3A_281 : i32
      %and3A = arith.andi %ne3A, %ne3A_282 : i1
      %sub3A = arith.constant 1 : i32
      %sub3A_283 = arith.subi %div3A, %sub3A : i32
      %select_n3A = arith.select %and3A, %sub3A_283, %div3A : i32
      %jit3A_284 = arith.constant 8 : i32
      %eq3A = arith.constant 0 : i32
      %eq3A_285 = arith.cmpi eq, %jit3A_284, %eq3A : i32
      %jit3A_286 = arith.constant 1 : i32
      %select_n3A_287 = arith.select %eq3A_285, %jit3A_286, %jit3A_284 : i32
      %rem3A_288 = arith.remsi %scan3A_267, %select_n3A_287 : i32
      %ne3A_289 = arith.constant 0 : i32
      %ne3A_290 = arith.cmpi ne, %rem3A_288, %ne3A_289 : i32
      %lt3A = arith.constant 0 : i32
      %lt3A_291 = arith.cmpi slt, %rem3A_288, %lt3A : i32
      %lt3A_292 = arith.constant 0 : i32
      %lt3A_293 = arith.cmpi slt, %select_n3A_287, %lt3A_292 : i32
      %ne3A_294 = arith.xori %lt3A_291, %lt3A_293 : i1
      %and3A_295 = arith.andi %ne3A_294, %ne3A_290 : i1
      %add3A_296 = arith.addi %rem3A_288, %select_n3A_287 : i32
      %select_n3A_297 = arith.select %and3A_295, %add3A_296, %rem3A_288 : i32
      %rem3A_298 = arith.constant 8 : i32
      %rem3A_299 = arith.remsi %scan3A_267, %rem3A_298 : i32
      %rem3A_300 = arith.constant 2 : i32
      %rem3A_301 = arith.remsi %scan3A_267, %rem3A_300 : i32
      %lt3A_302 = arith.constant 193 : i32
      %lt3A_303 = arith.cmpi slt, %scan3A_267, %lt3A_302 : i32
      %convert_element_type3A = arith.extui %lt3A_303 : i1 to i32
      %cond3A = arith.constant 0 : i32
      %cond3A_304 = arith.cmpi ne, %convert_element_type3A, %cond3A : i32
      scf.if %cond3A_304 {
        %add3A_486 = arith.constant 7 : i32
        %add3A_487 = arith.addi %scan3A_267, %add3A_486 : i32
        %add3A_488 = arith.constant 7 : i32
        %add3A_489 = arith.addi %scan3A_267, %add3A_488 : i32
        %rem3A_490 = arith.constant 8 : i32
        %rem3A_491 = arith.remsi %add3A_489, %rem3A_490 : i32
        %jit3A_492 = arith.constant 8 : i32
        %div3A_493 = arith.divsi %add3A_487, %jit3A_492 : i32
        %sign3A_494 = arith.constant 0 : i32
        %sign3A_495 = arith.cmpi sgt, %add3A_487, %sign3A_494 : i32
        %sign3A_496 = arith.extui %sign3A_495 : i1 to i32
        %sign3A_497 = arith.constant 0 : i32
        %sign3A_498 = arith.cmpi slt, %add3A_487, %sign3A_497 : i32
        %sign3A_499 = arith.extui %sign3A_498 : i1 to i32
        %sign3A_500 = arith.subi %sign3A_496, %sign3A_499 : i32
        %sign3A_501 = arith.constant 0 : i32
        %sign3A_502 = arith.cmpi sgt, %jit3A_492, %sign3A_501 : i32
        %sign3A_503 = arith.extui %sign3A_502 : i1 to i32
        %sign3A_504 = arith.constant 0 : i32
        %sign3A_505 = arith.cmpi slt, %jit3A_492, %sign3A_504 : i32
        %sign3A_506 = arith.extui %sign3A_505 : i1 to i32
        %sign3A_507 = arith.subi %sign3A_503, %sign3A_506 : i32
        %ne3A_508 = arith.cmpi ne, %sign3A_500, %sign3A_507 : i32
        %rem3A_509 = arith.remsi %add3A_487, %jit3A_492 : i32
        %ne3A_510 = arith.constant 0 : i32
        %ne3A_511 = arith.cmpi ne, %rem3A_509, %ne3A_510 : i32
        %and3A_512 = arith.andi %ne3A_508, %ne3A_511 : i1
        %sub3A_513 = arith.constant 1 : i32
        %sub3A_514 = arith.subi %div3A_493, %sub3A_513 : i32
        %select_n3A_515 = arith.select %and3A_512, %sub3A_514, %div3A_493 : i32
        %jit3A_516 = arith.constant 8 : i32
        %eq3A_517 = arith.constant 0 : i32
        %eq3A_518 = arith.cmpi eq, %jit3A_516, %eq3A_517 : i32
        %jit3A_519 = arith.constant 1 : i32
        %select_n3A_520 = arith.select %eq3A_518, %jit3A_519, %jit3A_516 : i32
        %rem3A_521 = arith.remsi %add3A_487, %select_n3A_520 : i32
        %ne3A_522 = arith.constant 0 : i32
        %ne3A_523 = arith.cmpi ne, %rem3A_521, %ne3A_522 : i32
        %lt3A_524 = arith.constant 0 : i32
        %lt3A_525 = arith.cmpi slt, %rem3A_521, %lt3A_524 : i32
        %lt3A_526 = arith.constant 0 : i32
        %lt3A_527 = arith.cmpi slt, %select_n3A_520, %lt3A_526 : i32
        %ne3A_528 = arith.xori %lt3A_525, %lt3A_527 : i1
        %and3A_529 = arith.andi %ne3A_528, %ne3A_523 : i1
        %add3A_530 = arith.addi %rem3A_521, %select_n3A_520 : i32
        %select_n3A_531 = arith.select %and3A_529, %add3A_530, %rem3A_521 : i32
        %dma_start3A_532 = arith.constant 0 : i32
        %dma_start3A_533 = arith.constant 0 : i32
        %dma_start3A_534 = tpu.memref_slice %arg7[%rem3A_491, %dma_start3A_532, %dma_start3A_533] : memref<8x128x64xf32, #tpu.memory_space<vmem>> -> memref<1x128x64xf32, #tpu.memory_space<vmem>>
        %dma_start3A_535 = tpu.memref_squeeze %dma_start3A_534 : memref<1x128x64xf32, #tpu.memory_space<vmem>> -> memref<128x64xf32, #tpu.memory_space<vmem>>
        %dma_start3A_536 = arith.constant 0 : i32
        %dma_start3A_537 = tpu.memref_slice %arg6[%select_n3A_515, %select_n3A_531, %dma_start3A_536] : memref<25x8x128xi32, #tpu.memory_space<vmem>> -> memref<1x1x128xi32, #tpu.memory_space<vmem>>
        %dma_start3A_538 = tpu.memref_squeeze %dma_start3A_537 : memref<1x1x128xi32, #tpu.memory_space<vmem>> -> memref<128xi32, #tpu.memory_space<vmem>>
        %dma_start3A_539 = arith.constant 0 : i32
        %dma_start3A_540 = arith.constant 0 : i32
        %dma_start3A_541 = tpu.memref_slice %arg3[%dma_start3A_539, %dma_start3A_540] : memref<1000000x64xf32, #tpu.memory_space<hbm>> -> memref<1000000x64xf32, #tpu.memory_space<hbm>>
        tpu.enqueue_indirect_dma source(%dma_start3A_541 : memref<1000000x64xf32, #tpu.memory_space<hbm>>) target(%dma_start3A_535 : memref<128x64xf32, #tpu.memory_space<vmem>>) offsets(%dma_start3A_538 : memref<128xi32, #tpu.memory_space<vmem>>) semaphore(%arg10 : memref<!tpu.dma_semaphore, #tpu.memory_space<semaphore_mem>>)
        %dma_start3A_542 = arith.constant 0 : i32
        %dma_start3A_543 = arith.constant 0 : i32
        %dma_start3A_544 = tpu.memref_slice %arg9[%rem3A_491, %dma_start3A_542, %dma_start3A_543] : memref<8x64x16xf32, #tpu.memory_space<vmem>> -> memref<1x64x16xf32, #tpu.memory_space<vmem>>
        %dma_start3A_545 = tpu.memref_squeeze %dma_start3A_544 : memref<1x64x16xf32, #tpu.memory_space<vmem>> -> memref<64x16xf32, #tpu.memory_space<vmem>>
        %dma_start3A_546 = arith.constant 0 : i32
        %dma_start3A_547 = arith.constant 0 : i32
        %dma_start3A_548 = tpu.memref_slice %arg4[%add3A_487, %dma_start3A_546, %dma_start3A_547] : memref<200x64x16xf32, #tpu.memory_space<hbm>> -> memref<1x64x16xf32, #tpu.memory_space<hbm>>
        %dma_start3A_549 = tpu.memref_squeeze %dma_start3A_548 : memref<1x64x16xf32, #tpu.memory_space<hbm>> -> memref<64x16xf32, #tpu.memory_space<hbm>>
        %dma_start3A_550 = arith.constant 0 : i32
        %dma_start3A_551 = arith.constant 0 : i32
        %dma_start3A_552 = tpu.memref_slice %arg9[%rem3A_491, %dma_start3A_550, %dma_start3A_551] : memref<8x64x16xf32, #tpu.memory_space<vmem>> -> memref<1x64x16xf32, #tpu.memory_space<vmem>>
        %dma_start3A_553 = tpu.memref_squeeze %dma_start3A_552 : memref<1x64x16xf32, #tpu.memory_space<vmem>> -> memref<64x16xf32, #tpu.memory_space<vmem>>
        %dma_start3A_554 = arith.constant 0 : i32
        %dma_start3A_555 = arith.constant 0 : i32
        %dma_start3A_556 = tpu.memref_slice %arg4[%add3A_487, %dma_start3A_554, %dma_start3A_555] : memref<200x64x16xf32, #tpu.memory_space<hbm>> -> memref<1x64x16xf32, #tpu.memory_space<hbm>>
        %dma_start3A_557 = tpu.memref_squeeze %dma_start3A_556 : memref<1x64x16xf32, #tpu.memory_space<hbm>> -> memref<64x16xf32, #tpu.memory_space<hbm>>
        tpu.enqueue_dma source(%dma_start3A_557 : memref<64x16xf32, #tpu.memory_space<hbm>>) target(%dma_start3A_553 : memref<64x16xf32, #tpu.memory_space<vmem>>) target_semaphore(%arg11 : memref<!tpu.dma_semaphore, #tpu.memory_space<semaphore_mem>>)
      } else {
      }
      %dma_wait3A_305 = arith.constant 0 : i32
      %dma_wait3A_306 = arith.constant 0 : i32
      %dma_wait3A_307 = tpu.memref_slice %arg7[%rem3A_299, %dma_wait3A_305, %dma_wait3A_306] : memref<8x128x64xf32, #tpu.memory_space<vmem>> -> memref<1x128x64xf32, #tpu.memory_space<vmem>>
      %dma_wait3A_308 = tpu.memref_squeeze %dma_wait3A_307 : memref<1x128x64xf32, #tpu.memory_space<vmem>> -> memref<128x64xf32, #tpu.memory_space<vmem>>
      %dma_wait3A_309 = arith.constant 0 : i32
      %dma_wait3A_310 = arith.constant 0 : i32
      %dma_wait3A_311 = tpu.memref_slice %arg3[%dma_wait3A_309, %dma_wait3A_310] : memref<1000000x64xf32, #tpu.memory_space<hbm>> -> memref<128x64xf32, #tpu.memory_space<hbm>>
      %dma_wait3A_312 = arith.constant 0 : i32
      %dma_wait3A_313 = arith.constant 0 : i32
      %dma_wait3A_314 = tpu.memref_slice %arg7[%rem3A_299, %dma_wait3A_312, %dma_wait3A_313] : memref<8x128x64xf32, #tpu.memory_space<vmem>> -> memref<1x128x64xf32, #tpu.memory_space<vmem>>
      %dma_wait3A_315 = tpu.memref_squeeze %dma_wait3A_314 : memref<1x128x64xf32, #tpu.memory_space<vmem>> -> memref<128x64xf32, #tpu.memory_space<vmem>>
      %dma_wait3A_316 = arith.constant 0 : i32
      %dma_wait3A_317 = arith.constant 0 : i32
      %dma_wait3A_318 = tpu.memref_slice %arg3[%dma_wait3A_316, %dma_wait3A_317] : memref<1000000x64xf32, #tpu.memory_space<hbm>> -> memref<128x64xf32, #tpu.memory_space<hbm>>
      tpu.wait_dma2 semaphore(%arg10 : memref<!tpu.dma_semaphore, #tpu.memory_space<semaphore_mem>>) src(%dma_wait3A_318 : memref<128x64xf32, #tpu.memory_space<hbm>>) dst(%dma_wait3A_315 : memref<128x64xf32, #tpu.memory_space<vmem>>)
      %dma_wait3A_319 = arith.constant 0 : i32
      %dma_wait3A_320 = arith.constant 0 : i32
      %dma_wait3A_321 = arith.constant 0 : i32
      %dma_wait3A_322 = tpu.memref_slice %arg9[%rem3A_299, %dma_wait3A_320, %dma_wait3A_321] : memref<8x64x16xf32, #tpu.memory_space<vmem>> -> memref<1x64x16xf32, #tpu.memory_space<vmem>>
      %dma_wait3A_323 = tpu.memref_squeeze %dma_wait3A_322 : memref<1x64x16xf32, #tpu.memory_space<vmem>> -> memref<64x16xf32, #tpu.memory_space<vmem>>
      %dma_wait3A_324 = arith.constant 0 : i32
      %dma_wait3A_325 = arith.constant 0 : i32
      %dma_wait3A_326 = tpu.memref_slice %arg4[%dma_wait3A_319, %dma_wait3A_324, %dma_wait3A_325] : memref<200x64x16xf32, #tpu.memory_space<hbm>> -> memref<1x64x16xf32, #tpu.memory_space<hbm>>
      %dma_wait3A_327 = tpu.memref_squeeze %dma_wait3A_326 : memref<1x64x16xf32, #tpu.memory_space<hbm>> -> memref<64x16xf32, #tpu.memory_space<hbm>>
      %dma_wait3A_328 = arith.constant 0 : i32
      %dma_wait3A_329 = arith.constant 0 : i32
      %dma_wait3A_330 = tpu.memref_slice %arg9[%rem3A_299, %dma_wait3A_328, %dma_wait3A_329] : memref<8x64x16xf32, #tpu.memory_space<vmem>> -> memref<1x64x16xf32, #tpu.memory_space<vmem>>
      %dma_wait3A_331 = tpu.memref_squeeze %dma_wait3A_330 : memref<1x64x16xf32, #tpu.memory_space<vmem>> -> memref<64x16xf32, #tpu.memory_space<vmem>>
      %dma_wait3A_332 = arith.constant 0 : i32
      %dma_wait3A_333 = arith.constant 0 : i32
      %dma_wait3A_334 = tpu.memref_slice %arg4[%dma_wait3A_319, %dma_wait3A_332, %dma_wait3A_333] : memref<200x64x16xf32, #tpu.memory_space<hbm>> -> memref<1x64x16xf32, #tpu.memory_space<hbm>>
      %dma_wait3A_335 = tpu.memref_squeeze %dma_wait3A_334 : memref<1x64x16xf32, #tpu.memory_space<hbm>> -> memref<64x16xf32, #tpu.memory_space<hbm>>
      tpu.wait_dma2 semaphore(%arg11 : memref<!tpu.dma_semaphore, #tpu.memory_space<semaphore_mem>>) src(%dma_wait3A_335 : memref<64x16xf32, #tpu.memory_space<hbm>>) dst(%dma_wait3A_331 : memref<64x16xf32, #tpu.memory_space<vmem>>)
      %ge3A = arith.constant 2 : i32
      %ge3A_336 = arith.cmpi sge, %scan3A_267, %ge3A : i32
      %convert_element_type3A_337 = arith.extui %ge3A_336 : i1 to i32
      %cond3A_338 = arith.constant 0 : i32
      %cond3A_339 = arith.cmpi ne, %convert_element_type3A_337, %cond3A_338 : i32
      scf.if %cond3A_339 {
        %dma_wait3A_486 = arith.constant 0 : i32
        %dma_wait3A_487 = arith.constant 0 : i32
        %dma_wait3A_488 = arith.constant 0 : i32
        %dma_wait3A_489 = arith.constant 0 : i32
        %dma_wait3A_490 = arith.constant 0 : i32
        %dma_wait3A_491 = tpu.memref_slice %arg8[%rem3A_301, %dma_wait3A_488, %dma_wait3A_489, %dma_wait3A_490] : memref<2x8x8x128xf32, #tpu.memory_space<vmem>> -> memref<1x8x8x128xf32, #tpu.memory_space<vmem>>
        %dma_wait3A_492 = tpu.memref_squeeze %dma_wait3A_491 : memref<1x8x8x128xf32, #tpu.memory_space<vmem>> -> memref<8x8x128xf32, #tpu.memory_space<vmem>>
        %dma_wait3A_493 = arith.constant 0 : i32
        %dma_wait3A_494 = arith.constant 0 : i32
        %dma_wait3A_495 = arith.constant 0 : i32
        %dma_wait3A_496 = tpu.memref_slice %arg5[%dma_wait3A_486, %dma_wait3A_493, %dma_wait3A_487, %dma_wait3A_494, %dma_wait3A_495] : memref<200x8x32x8x128xf32, #tpu.memory_space<hbm>> -> memref<1x8x1x8x128xf32, #tpu.memory_space<hbm>>
        %dma_wait3A_497 = tpu.memref_squeeze %dma_wait3A_496 : memref<1x8x1x8x128xf32, #tpu.memory_space<hbm>> -> memref<8x8x128xf32, #tpu.memory_space<hbm>>
        %dma_wait3A_498 = arith.constant 0 : i32
        %dma_wait3A_499 = arith.constant 0 : i32
        %dma_wait3A_500 = arith.constant 0 : i32
        %dma_wait3A_501 = tpu.memref_slice %arg5[%dma_wait3A_486, %dma_wait3A_498, %dma_wait3A_487, %dma_wait3A_499, %dma_wait3A_500] : memref<200x8x32x8x128xf32, #tpu.memory_space<hbm>> -> memref<1x8x1x8x128xf32, #tpu.memory_space<hbm>>
        %dma_wait3A_502 = tpu.memref_squeeze %dma_wait3A_501 : memref<1x8x1x8x128xf32, #tpu.memory_space<hbm>> -> memref<8x8x128xf32, #tpu.memory_space<hbm>>
        %dma_wait3A_503 = arith.constant 0 : i32
        %dma_wait3A_504 = arith.constant 0 : i32
        %dma_wait3A_505 = arith.constant 0 : i32
        %dma_wait3A_506 = tpu.memref_slice %arg8[%rem3A_301, %dma_wait3A_503, %dma_wait3A_504, %dma_wait3A_505] : memref<2x8x8x128xf32, #tpu.memory_space<vmem>> -> memref<1x8x8x128xf32, #tpu.memory_space<vmem>>
        %dma_wait3A_507 = tpu.memref_squeeze %dma_wait3A_506 : memref<1x8x8x128xf32, #tpu.memory_space<vmem>> -> memref<8x8x128xf32, #tpu.memory_space<vmem>>
        tpu.wait_dma2 semaphore(%arg12 : memref<!tpu.dma_semaphore, #tpu.memory_space<semaphore_mem>>) src(%dma_wait3A_507 : memref<8x8x128xf32, #tpu.memory_space<vmem>>) dst(%dma_wait3A_502 : memref<8x8x128xf32, #tpu.memory_space<hbm>>)
      } else {
      }
      %get3A = arith.index_cast %select_n3A : i32 to index
      %get3A_340 = arith.index_cast %select_n3A_297 : i32 to index
      %get3A_341 = arith.constant 0 : index
      %get3A_342 = tpu.vector_load %arg6[%get3A, %get3A_340, %get3A_341] {strides = array<i32>} : memref<25x8x128xi32, #tpu.memory_space<vmem>>, vector<16xi32>,
      %eq3A_343 = arith.constant 0 : i32
      %eq3A_344 = vector.broadcast %eq3A_343 : i32 to vector<16xi32>
      %eq3A_345 = arith.cmpi eq, %get3A_342, %eq3A_344 : vector<16xi32>
      %jit3A_346 = arith.constant 0.000000e+00 : f32
      %jit3A_347 = arith.constant 8.000000e+00 : f32
      %broadcast_in_dim3A = vector.broadcast %jit3A_346 : f32 to vector<16xf32>
      %broadcast_in_dim3A_348 = vector.broadcast %jit3A_347 : f32 to vector<16xf32>
      %select_n3A_349 = arith.select %eq3A_345, %broadcast_in_dim3A, %broadcast_in_dim3A_348 : vector<16xi1>, vector<16xf32>
      %get3A_350 = arith.index_cast %select_n3A : i32 to index
      %get3A_351 = arith.index_cast %select_n3A_297 : i32 to index
      %get3A_352 = arith.constant 16 : index
      %get3A_353 = tpu.vector_load %arg6[%get3A_350, %get3A_351, %get3A_352] {strides = array<i32>} : memref<25x8x128xi32, #tpu.memory_space<vmem>>, vector<16xi32>,
      %eq3A_354 = arith.constant 0 : i32
      %eq3A_355 = vector.broadcast %eq3A_354 : i32 to vector<16xi32>
      %eq3A_356 = arith.cmpi eq, %get3A_353, %eq3A_355 : vector<16xi32>
      %jit3A_357 = arith.constant 0.000000e+00 : f32
      %jit3A_358 = arith.constant 8.000000e+00 : f32
      %broadcast_in_dim3A_359 = vector.broadcast %jit3A_357 : f32 to vector<16xf32>
      %broadcast_in_dim3A_360 = vector.broadcast %jit3A_358 : f32 to vector<16xf32>
      %select_n3A_361 = arith.select %eq3A_356, %broadcast_in_dim3A_359, %broadcast_in_dim3A_360 : vector<16xi1>, vector<16xf32>
      %get3A_362 = arith.index_cast %select_n3A : i32 to index
      %get3A_363 = arith.index_cast %select_n3A_297 : i32 to index
      %get3A_364 = arith.constant 32 : index
      %get3A_365 = tpu.vector_load %arg6[%get3A_362, %get3A_363, %get3A_364] {strides = array<i32>} : memref<25x8x128xi32, #tpu.memory_space<vmem>>, vector<16xi32>,
      %eq3A_366 = arith.constant 0 : i32
      %eq3A_367 = vector.broadcast %eq3A_366 : i32 to vector<16xi32>
      %eq3A_368 = arith.cmpi eq, %get3A_365, %eq3A_367 : vector<16xi32>
      %jit3A_369 = arith.constant 0.000000e+00 : f32
      %jit3A_370 = arith.constant 8.000000e+00 : f32
      %broadcast_in_dim3A_371 = vector.broadcast %jit3A_369 : f32 to vector<16xf32>
      %broadcast_in_dim3A_372 = vector.broadcast %jit3A_370 : f32 to vector<16xf32>
      %select_n3A_373 = arith.select %eq3A_368, %broadcast_in_dim3A_371, %broadcast_in_dim3A_372 : vector<16xi1>, vector<16xf32>
      %get3A_374 = arith.index_cast %select_n3A : i32 to index
      %get3A_375 = arith.index_cast %select_n3A_297 : i32 to index
      %get3A_376 = arith.constant 48 : index
      %get3A_377 = tpu.vector_load %arg6[%get3A_374, %get3A_375, %get3A_376] {strides = array<i32>} : memref<25x8x128xi32, #tpu.memory_space<vmem>>, vector<16xi32>,
      %eq3A_378 = arith.constant 0 : i32
      %eq3A_379 = vector.broadcast %eq3A_378 : i32 to vector<16xi32>
      %eq3A_380 = arith.cmpi eq, %get3A_377, %eq3A_379 : vector<16xi32>
      %jit3A_381 = arith.constant 0.000000e+00 : f32
      %jit3A_382 = arith.constant 8.000000e+00 : f32
      %broadcast_in_dim3A_383 = vector.broadcast %jit3A_381 : f32 to vector<16xf32>
      %broadcast_in_dim3A_384 = vector.broadcast %jit3A_382 : f32 to vector<16xf32>
      %select_n3A_385 = arith.select %eq3A_380, %broadcast_in_dim3A_383, %broadcast_in_dim3A_384 : vector<16xi1>, vector<16xf32>
      %get3A_386 = arith.index_cast %select_n3A : i32 to index
      %get3A_387 = arith.index_cast %select_n3A_297 : i32 to index
      %get3A_388 = arith.constant 64 : index
      %get3A_389 = tpu.vector_load %arg6[%get3A_386, %get3A_387, %get3A_388] {strides = array<i32>} : memref<25x8x128xi32, #tpu.memory_space<vmem>>, vector<16xi32>,
      %eq3A_390 = arith.constant 0 : i32
      %eq3A_391 = vector.broadcast %eq3A_390 : i32 to vector<16xi32>
      %eq3A_392 = arith.cmpi eq, %get3A_389, %eq3A_391 : vector<16xi32>
      %jit3A_393 = arith.constant 0.000000e+00 : f32
      %jit3A_394 = arith.constant 8.000000e+00 : f32
      %broadcast_in_dim3A_395 = vector.broadcast %jit3A_393 : f32 to vector<16xf32>
      %broadcast_in_dim3A_396 = vector.broadcast %jit3A_394 : f32 to vector<16xf32>
      %select_n3A_397 = arith.select %eq3A_392, %broadcast_in_dim3A_395, %broadcast_in_dim3A_396 : vector<16xi1>, vector<16xf32>
      %get3A_398 = arith.index_cast %select_n3A : i32 to index
      %get3A_399 = arith.index_cast %select_n3A_297 : i32 to index
      %get3A_400 = arith.constant 80 : index
      %get3A_401 = tpu.vector_load %arg6[%get3A_398, %get3A_399, %get3A_400] {strides = array<i32>} : memref<25x8x128xi32, #tpu.memory_space<vmem>>, vector<16xi32>,
      %eq3A_402 = arith.constant 0 : i32
      %eq3A_403 = vector.broadcast %eq3A_402 : i32 to vector<16xi32>
      %eq3A_404 = arith.cmpi eq, %get3A_401, %eq3A_403 : vector<16xi32>
      %jit3A_405 = arith.constant 0.000000e+00 : f32
      %jit3A_406 = arith.constant 8.000000e+00 : f32
      %broadcast_in_dim3A_407 = vector.broadcast %jit3A_405 : f32 to vector<16xf32>
      %broadcast_in_dim3A_408 = vector.broadcast %jit3A_406 : f32 to vector<16xf32>
      %select_n3A_409 = arith.select %eq3A_404, %broadcast_in_dim3A_407, %broadcast_in_dim3A_408 : vector<16xi1>, vector<16xf32>
      %get3A_410 = arith.index_cast %select_n3A : i32 to index
      %get3A_411 = arith.index_cast %select_n3A_297 : i32 to index
      %get3A_412 = arith.constant 96 : index
      %get3A_413 = tpu.vector_load %arg6[%get3A_410, %get3A_411, %get3A_412] {strides = array<i32>} : memref<25x8x128xi32, #tpu.memory_space<vmem>>, vector<16xi32>,
      %eq3A_414 = arith.constant 0 : i32
      %eq3A_415 = vector.broadcast %eq3A_414 : i32 to vector<16xi32>
      %eq3A_416 = arith.cmpi eq, %get3A_413, %eq3A_415 : vector<16xi32>
      %jit3A_417 = arith.constant 0.000000e+00 : f32
      %jit3A_418 = arith.constant 8.000000e+00 : f32
      %broadcast_in_dim3A_419 = vector.broadcast %jit3A_417 : f32 to vector<16xf32>
      %broadcast_in_dim3A_420 = vector.broadcast %jit3A_418 : f32 to vector<16xf32>
      %select_n3A_421 = arith.select %eq3A_416, %broadcast_in_dim3A_419, %broadcast_in_dim3A_420 : vector<16xi1>, vector<16xf32>
      %get3A_422 = arith.index_cast %select_n3A : i32 to index
      %get3A_423 = arith.index_cast %select_n3A_297 : i32 to index
      %get3A_424 = arith.constant 112 : index
      %get3A_425 = tpu.vector_load %arg6[%get3A_422, %get3A_423, %get3A_424] {strides = array<i32>} : memref<25x8x128xi32, #tpu.memory_space<vmem>>, vector<16xi32>,
      %eq3A_426 = arith.constant 0 : i32
      %eq3A_427 = vector.broadcast %eq3A_426 : i32 to vector<16xi32>
      %eq3A_428 = arith.cmpi eq, %get3A_425, %eq3A_427 : vector<16xi32>
      %jit3A_429 = arith.constant 0.000000e+00 : f32
      %jit3A_430 = arith.constant 8.000000e+00 : f32
      %broadcast_in_dim3A_431 = vector.broadcast %jit3A_429 : f32 to vector<16xf32>
      %broadcast_in_dim3A_432 = vector.broadcast %jit3A_430 : f32 to vector<16xf32>
      %select_n3A_433 = arith.select %eq3A_428, %broadcast_in_dim3A_431, %broadcast_in_dim3A_432 : vector<16xi1>, vector<16xf32>
      %iota3A = tpu.iota {dimensions = array<i32: 0>} : vector<16xi32>
      %broadcast_in_dim3A_434 = vector.broadcast %rem3A_299 : i32 to vector<16xi32>
      %broadcast_in_dim3A_435 = vector.broadcast %rem3A_301 : i32 to vector<16xi32>
      %add3A_436 = arith.constant 0 : i32
      %add3A_437 = vector.broadcast %add3A_436 : i32 to vector<16xi32>
      %add3A_438 = arith.addi %iota3A, %add3A_437 : vector<16xi32>
      %add3A_439 = arith.constant 16 : i32
      %add3A_440 = vector.broadcast %add3A_439 : i32 to vector<16xi32>
      %add3A_441 = arith.addi %iota3A, %add3A_440 : vector<16xi32>
      %add3A_442 = arith.constant 32 : i32
      %add3A_443 = vector.broadcast %add3A_442 : i32 to vector<16xi32>
      %add3A_444 = arith.addi %iota3A, %add3A_443 : vector<16xi32>
      %add3A_445 = arith.constant 48 : i32
      %add3A_446 = vector.broadcast %add3A_445 : i32 to vector<16xi32>
      %add3A_447 = arith.addi %iota3A, %add3A_446 : vector<16xi32>
      %add3A_448 = arith.constant 64 : i32
      %add3A_449 = vector.broadcast %add3A_448 : i32 to vector<16xi32>
      %add3A_450 = arith.addi %iota3A, %add3A_449 : vector<16xi32>
      %add3A_451 = arith.constant 80 : i32
      %add3A_452 = vector.broadcast %add3A_451 : i32 to vector<16xi32>
      %add3A_453 = arith.addi %iota3A, %add3A_452 : vector<16xi32>
      %add3A_454 = arith.constant 96 : i32
      %add3A_455 = vector.broadcast %add3A_454 : i32 to vector<16xi32>
      %add3A_456 = arith.addi %iota3A, %add3A_455 : vector<16xi32>
      %add3A_457 = arith.constant 112 : i32
      %add3A_458 = vector.broadcast %add3A_457 : i32 to vector<16xi32>
      %add3A_459 = arith.addi %iota3A, %add3A_458 : vector<16xi32>
      %scan3A_460 = arith.constant 0 : i32
      %scan3A_461 = arith.constant 0 : i32
      %scan3A_462 = arith.constant 64 : i32
      %scan3A_463 = arith.addi %scan3A_461, %scan3A_462 : i32
      %scan3A_464 = arith.constant 2 : i32
      scf.for %scan3A_486 = %scan3A_461 to %scan3A_463 step %scan3A_464  : i32 {
        %add3A_487 = vector.broadcast %scan3A_486 : i32 to vector<16xi32>
        %add3A_488 = arith.addi %iota3A, %add3A_487 : vector<16xi32>
        %and3A_489 = arith.constant 63 : i32
        %and3A_490 = vector.broadcast %and3A_489 : i32 to vector<16xi32>
        %and3A_491 = arith.andi %add3A_488, %and3A_490 : vector<16xi32>
        %shift_right_logical3A = arith.constant 3 : i32
        %shift_right_logical3A_492 = vector.broadcast %shift_right_logical3A : i32 to vector<16xi32>
        %shift_right_logical3A_493 = arith.shrui %and3A_491, %shift_right_logical3A_492 : vector<16xi32>
        %and3A_494 = arith.constant 7 : i32
        %and3A_495 = vector.broadcast %and3A_494 : i32 to vector<16xi32>
        %and3A_496 = arith.andi %and3A_491, %and3A_495 : vector<16xi32>
        %get3A_497 = arith.index_cast %rem3A_299 : i32 to index
        %get3A_498 = arith.index_cast %scan3A_486 : i32 to index
        %get3A_499 = arith.constant 0 : index
        %get3A_500 = tpu.vector_load %arg9[%get3A_497, %get3A_498, %get3A_499] {strides = array<i32>} : memref<8x64x16xf32, #tpu.memory_space<vmem>>, vector<16xf32>,
        %gather3A = tpu.vector_load_idx %arg7[%broadcast_in_dim3A_434, %add3A_438, %and3A_491] : memref<8x128x64xf32, #tpu.memory_space<vmem>>[vector<16xi32>, vector<16xi32>, vector<16xi32>], vector<16xf32>,
        %gather3A_501 = tpu.vector_load_idx %arg7[%broadcast_in_dim3A_434, %add3A_441, %and3A_491] : memref<8x128x64xf32, #tpu.memory_space<vmem>>[vector<16xi32>, vector<16xi32>, vector<16xi32>], vector<16xf32>,
        %gather3A_502 = tpu.vector_load_idx %arg7[%broadcast_in_dim3A_434, %add3A_444, %and3A_491] : memref<8x128x64xf32, #tpu.memory_space<vmem>>[vector<16xi32>, vector<16xi32>, vector<16xi32>], vector<16xf32>,
        %gather3A_503 = tpu.vector_load_idx %arg7[%broadcast_in_dim3A_434, %add3A_447, %and3A_491] : memref<8x128x64xf32, #tpu.memory_space<vmem>>[vector<16xi32>, vector<16xi32>, vector<16xi32>], vector<16xf32>,
        %gather3A_504 = tpu.vector_load_idx %arg7[%broadcast_in_dim3A_434, %add3A_450, %and3A_491] : memref<8x128x64xf32, #tpu.memory_space<vmem>>[vector<16xi32>, vector<16xi32>, vector<16xi32>], vector<16xf32>,
        %gather3A_505 = tpu.vector_load_idx %arg7[%broadcast_in_dim3A_434, %add3A_453, %and3A_491] : memref<8x128x64xf32, #tpu.memory_space<vmem>>[vector<16xi32>, vector<16xi32>, vector<16xi32>], vector<16xf32>,
        %gather3A_506 = tpu.vector_load_idx %arg7[%broadcast_in_dim3A_434, %add3A_456, %and3A_491] : memref<8x128x64xf32, #tpu.memory_space<vmem>>[vector<16xi32>, vector<16xi32>, vector<16xi32>], vector<16xf32>,
        %gather3A_507 = tpu.vector_load_idx %arg7[%broadcast_in_dim3A_434, %add3A_459, %and3A_491] : memref<8x128x64xf32, #tpu.memory_space<vmem>>[vector<16xi32>, vector<16xi32>, vector<16xi32>], vector<16xf32>,
        %mul3A_508 = arith.mulf %gather3A, %select_n3A_349 : vector<16xf32>
        %add3A_509 = arith.addf %mul3A_508, %get3A_500 : vector<16xf32>
        %mul3A_510 = arith.mulf %gather3A_501, %select_n3A_361 : vector<16xf32>
        %add3A_511 = arith.addf %mul3A_510, %get3A_500 : vector<16xf32>
        %mul3A_512 = arith.mulf %gather3A_502, %select_n3A_373 : vector<16xf32>
        %add3A_513 = arith.addf %mul3A_512, %get3A_500 : vector<16xf32>
        %mul3A_514 = arith.mulf %gather3A_503, %select_n3A_385 : vector<16xf32>
        %add3A_515 = arith.addf %mul3A_514, %get3A_500 : vector<16xf32>
        %mul3A_516 = arith.mulf %gather3A_504, %select_n3A_397 : vector<16xf32>
        %add3A_517 = arith.addf %mul3A_516, %get3A_500 : vector<16xf32>
        %mul3A_518 = arith.mulf %gather3A_505, %select_n3A_409 : vector<16xf32>
        %add3A_519 = arith.addf %mul3A_518, %get3A_500 : vector<16xf32>
        %mul3A_520 = arith.mulf %gather3A_506, %select_n3A_421 : vector<16xf32>
        %add3A_521 = arith.addf %mul3A_520, %get3A_500 : vector<16xf32>
        %mul3A_522 = arith.mulf %gather3A_507, %select_n3A_433 : vector<16xf32>
        %add3A_523 = arith.addf %mul3A_522, %get3A_500 : vector<16xf32>
        tpu.vector_store_idx %arg8[%broadcast_in_dim3A_435, %shift_right_logical3A_493, %and3A_496, %add3A_438], %add3A_509 : memref<2x8x8x128xf32, #tpu.memory_space<vmem>>[vector<16xi32>, vector<16xi32>, vector<16xi32>, vector<16xi32>], vector<16xf32>,
        tpu.vector_store_idx %arg8[%broadcast_in_dim3A_435, %shift_right_logical3A_493, %and3A_496, %add3A_441], %add3A_511 : memref<2x8x8x128xf32, #tpu.memory_space<vmem>>[vector<16xi32>, vector<16xi32>, vector<16xi32>, vector<16xi32>], vector<16xf32>,
        tpu.vector_store_idx %arg8[%broadcast_in_dim3A_435, %shift_right_logical3A_493, %and3A_496, %add3A_444], %add3A_513 : memref<2x8x8x128xf32, #tpu.memory_space<vmem>>[vector<16xi32>, vector<16xi32>, vector<16xi32>, vector<16xi32>], vector<16xf32>,
        tpu.vector_store_idx %arg8[%broadcast_in_dim3A_435, %shift_right_logical3A_493, %and3A_496, %add3A_447], %add3A_515 : memref<2x8x8x128xf32, #tpu.memory_space<vmem>>[vector<16xi32>, vector<16xi32>, vector<16xi32>, vector<16xi32>], vector<16xf32>,
        tpu.vector_store_idx %arg8[%broadcast_in_dim3A_435, %shift_right_logical3A_493, %and3A_496, %add3A_450], %add3A_517 : memref<2x8x8x128xf32, #tpu.memory_space<vmem>>[vector<16xi32>, vector<16xi32>, vector<16xi32>, vector<16xi32>], vector<16xf32>,
        tpu.vector_store_idx %arg8[%broadcast_in_dim3A_435, %shift_right_logical3A_493, %and3A_496, %add3A_453], %add3A_519 : memref<2x8x8x128xf32, #tpu.memory_space<vmem>>[vector<16xi32>, vector<16xi32>, vector<16xi32>, vector<16xi32>], vector<16xf32>,
        tpu.vector_store_idx %arg8[%broadcast_in_dim3A_435, %shift_right_logical3A_493, %and3A_496, %add3A_456], %add3A_521 : memref<2x8x8x128xf32, #tpu.memory_space<vmem>>[vector<16xi32>, vector<16xi32>, vector<16xi32>, vector<16xi32>], vector<16xf32>,
        tpu.vector_store_idx %arg8[%broadcast_in_dim3A_435, %shift_right_logical3A_493, %and3A_496, %add3A_459], %add3A_523 : memref<2x8x8x128xf32, #tpu.memory_space<vmem>>[vector<16xi32>, vector<16xi32>, vector<16xi32>, vector<16xi32>], vector<16xf32>,
        %scan3A_524 = arith.constant 1 : i32
        %scan3A_525 = arith.addi %scan3A_486, %scan3A_524 : i32
        %add3A_526 = vector.broadcast %scan3A_525 : i32 to vector<16xi32>
        %add3A_527 = arith.addi %iota3A, %add3A_526 : vector<16xi32>
        %and3A_528 = arith.constant 63 : i32
        %and3A_529 = vector.broadcast %and3A_528 : i32 to vector<16xi32>
        %and3A_530 = arith.andi %add3A_527, %and3A_529 : vector<16xi32>
        %shift_right_logical3A_531 = arith.constant 3 : i32
        %shift_right_logical3A_532 = vector.broadcast %shift_right_logical3A_531 : i32 to vector<16xi32>
        %shift_right_logical3A_533 = arith.shrui %and3A_530, %shift_right_logical3A_532 : vector<16xi32>
        %and3A_534 = arith.constant 7 : i32
        %and3A_535 = vector.broadcast %and3A_534 : i32 to vector<16xi32>
        %and3A_536 = arith.andi %and3A_530, %and3A_535 : vector<16xi32>
        %get3A_537 = arith.index_cast %rem3A_299 : i32 to index
        %get3A_538 = arith.index_cast %scan3A_525 : i32 to index
        %get3A_539 = arith.constant 0 : index
        %get3A_540 = tpu.vector_load %arg9[%get3A_537, %get3A_538, %get3A_539] {strides = array<i32>} : memref<8x64x16xf32, #tpu.memory_space<vmem>>, vector<16xf32>,
        %gather3A_541 = tpu.vector_load_idx %arg7[%broadcast_in_dim3A_434, %add3A_438, %and3A_530] : memref<8x128x64xf32, #tpu.memory_space<vmem>>[vector<16xi32>, vector<16xi32>, vector<16xi32>], vector<16xf32>,
        %gather3A_542 = tpu.vector_load_idx %arg7[%broadcast_in_dim3A_434, %add3A_441, %and3A_530] : memref<8x128x64xf32, #tpu.memory_space<vmem>>[vector<16xi32>, vector<16xi32>, vector<16xi32>], vector<16xf32>,
        %gather3A_543 = tpu.vector_load_idx %arg7[%broadcast_in_dim3A_434, %add3A_444, %and3A_530] : memref<8x128x64xf32, #tpu.memory_space<vmem>>[vector<16xi32>, vector<16xi32>, vector<16xi32>], vector<16xf32>,
        %gather3A_544 = tpu.vector_load_idx %arg7[%broadcast_in_dim3A_434, %add3A_447, %and3A_530] : memref<8x128x64xf32, #tpu.memory_space<vmem>>[vector<16xi32>, vector<16xi32>, vector<16xi32>], vector<16xf32>,
        %gather3A_545 = tpu.vector_load_idx %arg7[%broadcast_in_dim3A_434, %add3A_450, %and3A_530] : memref<8x128x64xf32, #tpu.memory_space<vmem>>[vector<16xi32>, vector<16xi32>, vector<16xi32>], vector<16xf32>,
        %gather3A_546 = tpu.vector_load_idx %arg7[%broadcast_in_dim3A_434, %add3A_453, %and3A_530] : memref<8x128x64xf32, #tpu.memory_space<vmem>>[vector<16xi32>, vector<16xi32>, vector<16xi32>], vector<16xf32>,
        %gather3A_547 = tpu.vector_load_idx %arg7[%broadcast_in_dim3A_434, %add3A_456, %and3A_530] : memref<8x128x64xf32, #tpu.memory_space<vmem>>[vector<16xi32>, vector<16xi32>, vector<16xi32>], vector<16xf32>,
        %gather3A_548 = tpu.vector_load_idx %arg7[%broadcast_in_dim3A_434, %add3A_459, %and3A_530] : memref<8x128x64xf32, #tpu.memory_space<vmem>>[vector<16xi32>, vector<16xi32>, vector<16xi32>], vector<16xf32>,
        %mul3A_549 = arith.mulf %gather3A_541, %select_n3A_349 : vector<16xf32>
        %add3A_550 = arith.addf %mul3A_549, %get3A_540 : vector<16xf32>
        %mul3A_551 = arith.mulf %gather3A_542, %select_n3A_361 : vector<16xf32>
        %add3A_552 = arith.addf %mul3A_551, %get3A_540 : vector<16xf32>
        %mul3A_553 = arith.mulf %gather3A_543, %select_n3A_373 : vector<16xf32>
        %add3A_554 = arith.addf %mul3A_553, %get3A_540 : vector<16xf32>
        %mul3A_555 = arith.mulf %gather3A_544, %select_n3A_385 : vector<16xf32>
        %add3A_556 = arith.addf %mul3A_555, %get3A_540 : vector<16xf32>
        %mul3A_557 = arith.mulf %gather3A_545, %select_n3A_397 : vector<16xf32>
        %add3A_558 = arith.addf %mul3A_557, %get3A_540 : vector<16xf32>
        %mul3A_559 = arith.mulf %gather3A_546, %select_n3A_409 : vector<16xf32>
        %add3A_560 = arith.addf %mul3A_559, %get3A_540 : vector<16xf32>
        %mul3A_561 = arith.mulf %gather3A_547, %select_n3A_421 : vector<16xf32>
        %add3A_562 = arith.addf %mul3A_561, %get3A_540 : vector<16xf32>
        %mul3A_563 = arith.mulf %gather3A_548, %select_n3A_433 : vector<16xf32>
        %add3A_564 = arith.addf %mul3A_563, %get3A_540 : vector<16xf32>
        tpu.vector_store_idx %arg8[%broadcast_in_dim3A_435, %shift_right_logical3A_533, %and3A_536, %add3A_438], %add3A_550 : memref<2x8x8x128xf32, #tpu.memory_space<vmem>>[vector<16xi32>, vector<16xi32>, vector<16xi32>, vector<16xi32>], vector<16xf32>,
        tpu.vector_store_idx %arg8[%broadcast_in_dim3A_435, %shift_right_logical3A_533, %and3A_536, %add3A_441], %add3A_552 : memref<2x8x8x128xf32, #tpu.memory_space<vmem>>[vector<16xi32>, vector<16xi32>, vector<16xi32>, vector<16xi32>], vector<16xf32>,
        tpu.vector_store_idx %arg8[%broadcast_in_dim3A_435, %shift_right_logical3A_533, %and3A_536, %add3A_444], %add3A_554 : memref<2x8x8x128xf32, #tpu.memory_space<vmem>>[vector<16xi32>, vector<16xi32>, vector<16xi32>, vector<16xi32>], vector<16xf32>,
        tpu.vector_store_idx %arg8[%broadcast_in_dim3A_435, %shift_right_logical3A_533, %and3A_536, %add3A_447], %add3A_556 : memref<2x8x8x128xf32, #tpu.memory_space<vmem>>[vector<16xi32>, vector<16xi32>, vector<16xi32>, vector<16xi32>], vector<16xf32>,
        tpu.vector_store_idx %arg8[%broadcast_in_dim3A_435, %shift_right_logical3A_533, %and3A_536, %add3A_450], %add3A_558 : memref<2x8x8x128xf32, #tpu.memory_space<vmem>>[vector<16xi32>, vector<16xi32>, vector<16xi32>, vector<16xi32>], vector<16xf32>,
        tpu.vector_store_idx %arg8[%broadcast_in_dim3A_435, %shift_right_logical3A_533, %and3A_536, %add3A_453], %add3A_560 : memref<2x8x8x128xf32, #tpu.memory_space<vmem>>[vector<16xi32>, vector<16xi32>, vector<16xi32>, vector<16xi32>], vector<16xf32>,
        tpu.vector_store_idx %arg8[%broadcast_in_dim3A_435, %shift_right_logical3A_533, %and3A_536, %add3A_456], %add3A_562 : memref<2x8x8x128xf32, #tpu.memory_space<vmem>>[vector<16xi32>, vector<16xi32>, vector<16xi32>, vector<16xi32>], vector<16xf32>,
        tpu.vector_store_idx %arg8[%broadcast_in_dim3A_435, %shift_right_logical3A_533, %and3A_536, %add3A_459], %add3A_564 : memref<2x8x8x128xf32, #tpu.memory_space<vmem>>[vector<16xi32>, vector<16xi32>, vector<16xi32>, vector<16xi32>], vector<16xf32>,
      }
      %scan3A_465 = arith.constant 64 : i32
      %dma_start3A_466 = arith.constant 0 : i32
      %dma_start3A_467 = arith.constant 0 : i32
      %dma_start3A_468 = arith.constant 0 : i32
      %dma_start3A_469 = tpu.memref_slice %arg8[%rem3A_301, %dma_start3A_466, %dma_start3A_467, %dma_start3A_468] : memref<2x8x8x128xf32, #tpu.memory_space<vmem>> -> memref<1x8x8x128xf32, #tpu.memory_space<vmem>>
      %dma_start3A_470 = tpu.memref_squeeze %dma_start3A_469 : memref<1x8x8x128xf32, #tpu.memory_space<vmem>> -> memref<8x8x128xf32, #tpu.memory_space<vmem>>
      %dma_start3A_471 = arith.constant 0 : i32
      %dma_start3A_472 = arith.constant 0 : i32
      %dma_start3A_473 = arith.constant 0 : i32
      %dma_start3A_474 = tpu.memref_slice %arg5[%scan3A_267, %dma_start3A_471, %add3A, %dma_start3A_472, %dma_start3A_473] : memref<200x8x32x8x128xf32, #tpu.memory_space<hbm>> -> memref<1x8x1x8x128xf32, #tpu.memory_space<hbm>>
      %dma_start3A_475 = tpu.memref_squeeze %dma_start3A_474 : memref<1x8x1x8x128xf32, #tpu.memory_space<hbm>> -> memref<8x8x128xf32, #tpu.memory_space<hbm>>
      %dma_start3A_476 = arith.constant 0 : i32
      %dma_start3A_477 = arith.constant 0 : i32
      %dma_start3A_478 = arith.constant 0 : i32
      %dma_start3A_479 = tpu.memref_slice %arg5[%scan3A_267, %dma_start3A_476, %add3A, %dma_start3A_477, %dma_start3A_478] : memref<200x8x32x8x128xf32, #tpu.memory_space<hbm>> -> memref<1x8x1x8x128xf32, #tpu.memory_space<hbm>>
      %dma_start3A_480 = tpu.memref_squeeze %dma_start3A_479 : memref<1x8x1x8x128xf32, #tpu.memory_space<hbm>> -> memref<8x8x128xf32, #tpu.memory_space<hbm>>
      %dma_start3A_481 = arith.constant 0 : i32
      %dma_start3A_482 = arith.constant 0 : i32
      %dma_start3A_483 = arith.constant 0 : i32
      %dma_start3A_484 = tpu.memref_slice %arg8[%rem3A_301, %dma_start3A_481, %dma_start3A_482, %dma_start3A_483] : memref<2x8x8x128xf32, #tpu.memory_space<vmem>> -> memref<1x8x8x128xf32, #tpu.memory_space<vmem>>
      %dma_start3A_485 = tpu.memref_squeeze %dma_start3A_484 : memref<1x8x8x128xf32, #tpu.memory_space<vmem>> -> memref<8x8x128xf32, #tpu.memory_space<vmem>>
      tpu.enqueue_dma source(%dma_start3A_485 : memref<8x8x128xf32, #tpu.memory_space<vmem>>) target(%dma_start3A_480 : memref<8x8x128xf32, #tpu.memory_space<hbm>>) target_semaphore(%arg12 : memref<!tpu.dma_semaphore, #tpu.memory_space<semaphore_mem>>)
    }
    %scan3A_221 = arith.constant 200 : i32
    %dma_wait3A = arith.constant 0 : i32
    %dma_wait3A_222 = arith.constant 0 : i32
    %dma_wait3A_223 = arith.constant 0 : i32
    %dma_wait3A_224 = arith.constant 0 : i32
    %dma_wait3A_225 = arith.constant 0 : i32
    %dma_wait3A_226 = arith.constant 0 : i32
    %dma_wait3A_227 = tpu.memref_slice %arg8[%dma_wait3A, %dma_wait3A_224, %dma_wait3A_225, %dma_wait3A_226] : memref<2x8x8x128xf32, #tpu.memory_space<vmem>> -> memref<1x8x8x128xf32, #tpu.memory_space<vmem>>
    %dma_wait3A_228 = tpu.memref_squeeze %dma_wait3A_227 : memref<1x8x8x128xf32, #tpu.memory_space<vmem>> -> memref<8x8x128xf32, #tpu.memory_space<vmem>>
    %dma_wait3A_229 = arith.constant 0 : i32
    %dma_wait3A_230 = arith.constant 0 : i32
    %dma_wait3A_231 = arith.constant 0 : i32
    %dma_wait3A_232 = tpu.memref_slice %arg5[%dma_wait3A_222, %dma_wait3A_229, %dma_wait3A_223, %dma_wait3A_230, %dma_wait3A_231] : memref<200x8x32x8x128xf32, #tpu.memory_space<hbm>> -> memref<1x8x1x8x128xf32, #tpu.memory_space<hbm>>
    %dma_wait3A_233 = tpu.memref_squeeze %dma_wait3A_232 : memref<1x8x1x8x128xf32, #tpu.memory_space<hbm>> -> memref<8x8x128xf32, #tpu.memory_space<hbm>>
    %dma_wait3A_234 = arith.constant 0 : i32
    %dma_wait3A_235 = arith.constant 0 : i32
    %dma_wait3A_236 = arith.constant 0 : i32
    %dma_wait3A_237 = tpu.memref_slice %arg5[%dma_wait3A_222, %dma_wait3A_234, %dma_wait3A_223, %dma_wait3A_235, %dma_wait3A_236] : memref<200x8x32x8x128xf32, #tpu.memory_space<hbm>> -> memref<1x8x1x8x128xf32, #tpu.memory_space<hbm>>
    %dma_wait3A_238 = tpu.memref_squeeze %dma_wait3A_237 : memref<1x8x1x8x128xf32, #tpu.memory_space<hbm>> -> memref<8x8x128xf32, #tpu.memory_space<hbm>>
    %dma_wait3A_239 = arith.constant 0 : i32
    %dma_wait3A_240 = arith.constant 0 : i32
    %dma_wait3A_241 = arith.constant 0 : i32
    %dma_wait3A_242 = tpu.memref_slice %arg8[%dma_wait3A, %dma_wait3A_239, %dma_wait3A_240, %dma_wait3A_241] : memref<2x8x8x128xf32, #tpu.memory_space<vmem>> -> memref<1x8x8x128xf32, #tpu.memory_space<vmem>>
    %dma_wait3A_243 = tpu.memref_squeeze %dma_wait3A_242 : memref<1x8x8x128xf32, #tpu.memory_space<vmem>> -> memref<8x8x128xf32, #tpu.memory_space<vmem>>
    tpu.wait_dma2 semaphore(%arg12 : memref<!tpu.dma_semaphore, #tpu.memory_space<semaphore_mem>>) src(%dma_wait3A_243 : memref<8x8x128xf32, #tpu.memory_space<vmem>>) dst(%dma_wait3A_238 : memref<8x8x128xf32, #tpu.memory_space<hbm>>)
    %dma_wait3A_244 = arith.constant 0 : i32
    %dma_wait3A_245 = arith.constant 0 : i32
    %dma_wait3A_246 = arith.constant 0 : i32
    %dma_wait3A_247 = arith.constant 0 : i32
    %dma_wait3A_248 = arith.constant 0 : i32
    %dma_wait3A_249 = arith.constant 0 : i32
    %dma_wait3A_250 = tpu.memref_slice %arg8[%dma_wait3A_244, %dma_wait3A_247, %dma_wait3A_248, %dma_wait3A_249] : memref<2x8x8x128xf32, #tpu.memory_space<vmem>> -> memref<1x8x8x128xf32, #tpu.memory_space<vmem>>
    %dma_wait3A_251 = tpu.memref_squeeze %dma_wait3A_250 : memref<1x8x8x128xf32, #tpu.memory_space<vmem>> -> memref<8x8x128xf32, #tpu.memory_space<vmem>>
    %dma_wait3A_252 = arith.constant 0 : i32
    %dma_wait3A_253 = arith.constant 0 : i32
    %dma_wait3A_254 = arith.constant 0 : i32
    %dma_wait3A_255 = tpu.memref_slice %arg5[%dma_wait3A_245, %dma_wait3A_252, %dma_wait3A_246, %dma_wait3A_253, %dma_wait3A_254] : memref<200x8x32x8x128xf32, #tpu.memory_space<hbm>> -> memref<1x8x1x8x128xf32, #tpu.memory_space<hbm>>
    %dma_wait3A_256 = tpu.memref_squeeze %dma_wait3A_255 : memref<1x8x1x8x128xf32, #tpu.memory_space<hbm>> -> memref<8x8x128xf32, #tpu.memory_space<hbm>>
    %dma_wait3A_257 = arith.constant 0 : i32
    %dma_wait3A_258 = arith.constant 0 : i32
    %dma_wait3A_259 = arith.constant 0 : i32
    %dma_wait3A_260 = tpu.memref_slice %arg5[%dma_wait3A_245, %dma_wait3A_257, %dma_wait3A_246, %dma_wait3A_258, %dma_wait3A_259] : memref<200x8x32x8x128xf32, #tpu.memory_space<hbm>> -> memref<1x8x1x8x128xf32, #tpu.memory_space<hbm>>
    %dma_wait3A_261 = tpu.memref_squeeze %dma_wait3A_260 : memref<1x8x1x8x128xf32, #tpu.memory_space<hbm>> -> memref<8x8x128xf32, #tpu.memory_space<hbm>>
    %dma_wait3A_262 = arith.constant 0 : i32
    %dma_wait3A_263 = arith.constant 0 : i32
    %dma_wait3A_264 = arith.constant 0 : i32
    %dma_wait3A_265 = tpu.memref_slice %arg8[%dma_wait3A_244, %dma_wait3A_262, %dma_wait3A_263, %dma_wait3A_264] : memref<2x8x8x128xf32, #tpu.memory_space<vmem>> -> memref<1x8x8x128xf32, #tpu.memory_space<vmem>>
    %dma_wait3A_266 = tpu.memref_squeeze %dma_wait3A_265 : memref<1x8x8x128xf32, #tpu.memory_space<vmem>> -> memref<8x8x128xf32, #tpu.memory_space<vmem>>
    tpu.wait_dma2 semaphore(%arg12 : memref<!tpu.dma_semaphore, #tpu.memory_space<semaphore_mem>>) src(%dma_wait3A_266 : memref<8x8x128xf32, #tpu.memory_space<vmem>>) dst(%dma_wait3A_261 : memref<8x8x128xf32, #tpu.memory_space<hbm>>)
    return
  }
}

</mosaic_0001>

<sc_bundles>
// kernel: kernel.3.cloned.1.call-start
scs
__scs_entry_jumppad:
0x0: {  	(pc) =	sbr.rel $0x88, $3  }
0x1: {  	(tag) =	ssettag $0x0;
	lr =	simm.s32 $0x1  }
0x2: {  	[smem:$0x3F9F] =	sst lr;
	_ =	strace $0xD0000000  }
0x3: {  	_ = 	snop  }
0x4: {  	_ = 	snop  }
0x5: {  	_ = 	snop  }
0x6: {  	_ = 	snop  }
0x7: {  	_ = 	snop  }
__scs_overlays_trampoline_lowered:
0x8: {  	[smem:$0x3FAE] =	sst s0  }
0x9: {  	[smem:$0x3FAF] =	sst s1  }
0xa: {  	[smem:$0x3FB0] =	sst s2  }
0xb: {  	[smem:$0x3FB1] =	sst s3  }
0xc: {  	[smem:$0x3FB2] =	sst s4  }
0xd: {  	[smem:$0x3FB3] =	sst s5  }
0xe: {  	[smem:$0x3FB4] =	sst s6  }
0xf: {  	[smem:$0x3FB5] =	sst s7  }
0x10: {  	[smem:$0x3FB6] =	sst s8  }
0x11: {  	[smem:$0x3FB7] =	sst s9;
	s0 =	simm.s32 @!p0 $0x0  }
0x12: {  	s1 =	sld [smem:$0x3F9D];
	s0 =	simm.s32 @p0 $0x1  }
0x13: {  	[smem:$0x3FB8] =	sst s0;
	s0 =	simm.s32 @!p1 $0x0  }
0x14: {  	s2 =	sld [smem:$0x3F9C];
	s0 =	simm.s32 @p1 $0x1  }
0x15: {  	[smem:$0x3FB9] =	sst s0;
	s0 =	simm.s32 @!p2 $0x0  }
0x16: {  	s3 =	sld [smem:$0x3FDB];
	s0 =	simm.s32 @p2 $0x1  }
0x17: {  	s4 =	simm.s32 $0x1BF5;
	[smem:$0x3FBB] =	sst s0  }
0x18: {  	s0 =	sld [smem:$0x3F9E];
	_ =	swait.ge [sflag:s4], $0x0  }
0x19: {  	s7 =	sld [smem:$0x3F9F]  }
0x1a: {  	s8 =	sadd.s32 $0xFFFFE003, lr  }
0x1b: {  	s9 =	sadd.s32 $0xFFFFFEF7, lr;
	s5 =	simm.s32 $0xFFFFFFFF;
	p2 =	slt.u32 s8, $0xFFFFF086  }
0x1c: {  	p1 =	slt.u32 s9, $0xF7A;
	s5 =	simm.s32 @!p2 $0x0  }
0x1d: {  	s5 =	simm.s32 @p1 $0x1;
	p0 =	seq.s32 s7, s2  }
0x1e: {  	s7 =	smul.u32 @!p0 $0xF7A, s2;
	p2 =	seq.s32 @!p0 s5, $0x0  }
0x1f: {  	s9 =	smul.u32 $0xF7A, s1;
	s8 =	simm.s32 @!p0 $0x1BF5;
	p2 =	por !p2, p0  }
0x20: {  	[sflag:s8] =	ssyncset.s32 @!p0 $0xFFFFF086;
	s6 =	sadd.s32 @!p0 s3, s7;
	s7 =	simm.s32 @!p0 $0x108  }
0x21: {  	s3 =	sadd.s32 s3, s9;
	s6 =	sadd.s32 @!p0 $0x88, s6;
	s7 =	simm.s32 @p2 $0x1082  }
0x22: {  	[simem:s7], [sflag:s8] =	dma.local @!p0 [hbm:s6], $0xF7A  }
0x23: {  	s9 =	sor.u32 $0xD0000000, s2;
	s6 =	simm.s32 $0x108;
	_ =	swait.ge @!p0 [sflag:s8], $0x0  }
0x24: {  	s3 =	sadd.s32 $0x88, s3;
	s6 =	simm.s32 @!p1 $0x1082;
	[sflag:s4] =	ssyncset.s32 $0xFFFFF086  }
0x25: {  	[simem:s6], [sflag:s4] =	dma.local [hbm:s3], $0xF7A  }
0x26: {  	[smem:$0x3F9F] =	sst s1;
	(tag) =	ssettag s2;
	_ =	strace s9  }
0x27: {  	s1 =	sld [smem:$0x3FAF]  }
0x28: {  	s2 =	sld [smem:$0x3FB0]  }
0x29: {  	s4 =	sld [smem:$0x3FB2]  }
0x2a: {  	p0 =	seq.s32 s5, $0x0;
	s5 =	sld [smem:$0x3FB3]  }
0x2b: {  	s6 =	sld [smem:$0x3FB4]  }
0x2c: {  	s7 =	sld [smem:$0x3FB5]  }
0x2d: {  	s3 =	simm.s32 $0x108;
	s8 =	sld [smem:$0x3FB6]  }
0x2e: {  	s3 =	simm.s32 @!p0 $0x1082;
	s9 =	sld [smem:$0x3FB7]  }
0x2f: {  	lr =	sadd.s32 s0, s3;
	s0 =	sld [smem:$0x3FAE]  }
0x30: {  	s3 =	sld [smem:$0x3FB1]  }
0x31: {  	[smem:$0x3FBA] =	sst s10  }
0x32: {  	s10 =	sld [smem:$0x3FB8];
	_ =	sdelay $0x3  }
0x33: {  	p0 =	seq.s32 s10, $0x1;
	s10 =	sld [smem:$0x3FBA];
	_ =	sdelay $0x3  }
0x34: {  	[smem:$0x3FBA] =	sst s10  }
0x35: {  	s10 =	sld [smem:$0x3FB9];
	_ =	sdelay $0x3  }
0x36: {  	p1 =	seq.s32 s10, $0x1;
	s10 =	sld [smem:$0x3FBA];
	_ =	sdelay $0x3  }
0x37: {  	[smem:$0x3FBA] =	sst s10  }
0x38: {  	s10 =	sld [smem:$0x3FBB]  }
0x39: {  	_ = 	snop;
	(pc) =	sbr.ind lr, $3  }
0x3a: {  	_ = 	snop  }
0x3b: {  	_ = 	snop  }
0x3c: {  	p2 =	seq.s32 s10, $0x1;
	s10 =	sld [smem:$0x3FBA]  }
0x3d: {  	_ =	shalt  }
0x3e: {  	_ =	shalt  }
0x3f: {  	_ =	shalt  }
0x40: {  	_ =	shalt  }
0x41: {  	_ =	shalt  }
0x42: {  	_ =	shalt  }
0x43: {  	_ =	shalt  }
0x44: {  	_ =	shalt  }
0x45: {  	_ =	shalt  }
0x46: {  	_ =	shalt  }
0x47: {  	_ =	shalt  }
0x48: {  	_ =	shalt  }
0x49: {  	_ =	shalt  }
0x4a: {  	_ =	shalt  }
0x4b: {  	_ =	shalt  }
0x4c: {  	_ =	shalt  }
0x4d: {  	_ =	shalt  }
0x4e: {  	_ =	shalt  }
0x4f: {  	_ =	shalt  }
0x50: {  	_ =	shalt  }
0x51: {  	_ =	shalt  }
0x52: {  	_ =	shalt  }
0x53: {  	_ =	shalt  }
0x54: {  	_ =	shalt  }
0x55: {  	_ =	shalt  }
0x56: {  	_ =	shalt  }
0x57: {  	_ =	shalt  }
0x58: {  	_ =	shalt  }
0x59: {  	_ =	shalt  }
0x5a: {  	_ =	shalt  }
0x5b: {  	_ =	shalt  }
0x5c: {  	_ =	shalt  }
0x5d: {  	_ =	shalt  }
0x5e: {  	_ =	shalt  }
0x5f: {  	_ =	shalt  }
0x60: {  	_ =	shalt  }
0x61: {  	_ =	shalt  }
0x62: {  	_ =	shalt  }
0x63: {  	_ =	shalt  }
0x64: {  	_ =	shalt  }
0x65: {  	_ =	shalt  }
0x66: {  	_ =	shalt  }
0x67: {  	_ =	shalt  }
0x68: {  	_ =	shalt  }
0x69: {  	_ =	shalt  }
0x6a: {  	_ =	shalt  }
0x6b: {  	_ =	shalt  }
0x6c: {  	_ =	shalt  }
0x6d: {  	_ =	shalt  }
0x6e: {  	_ =	shalt  }
0x6f: {  	_ =	shalt  }
0x70: {  	_ =	shalt  }
0x71: {  	_ =	shalt  }
0x72: {  	_ =	shalt  }
0x73: {  	_ =	shalt  }
0x74: {  	_ =	shalt  }
0x75: {  	_ =	shalt  }
0x76: {  	_ =	shalt  }
0x77: {  	_ =	shalt  }
0x78: {  	_ =	shalt  }
0x79: {  	_ =	shalt  }
0x7a: {  	_ =	shalt  }
0x7b: {  	_ =	shalt  }
0x7c: {  	_ =	shalt  }
0x7d: {  	_ =	shalt  }
0x7e: {  	_ =	shalt  }
0x7f: {  	_ =	shalt  }
0x80: {  	_ =	shalt  }
0x81: {  	_ =	shalt  }
0x82: {  	_ =	shalt  }
0x83: {  	_ =	shalt  }
0x84: {  	_ =	shalt  }
0x85: {  	_ =	shalt  }
0x86: {  	_ =	shalt  }
0x87: {  	_ =	shalt  }
.Lfunc_end0:
.L_simem_size_0:
called_computation_lowered:
.L_overlay_start_0:
0x88: {  	s2 =	sld [smem:$0x3FD9]  }
0x89: {  	s3 =	sld [smem:$0x3FFE];
	_ =	sdelay $0x1  }
0x8a: {  	s1 =	srdreg.scid  }
0x8b: {  	s0 =	sand.u32 $0x1, s1  }
0x8c: {  	s17 =	sshll.u32 s0, $0xA;
	s2 =	sadd.s32 s3, s2  }
0x8d: {  	s2 =	sadd.s32 s2, s17  }
0x8e: {  	[smem:$0x3FC6] =	sst s2  }
0x8f: {  	_ = 	snop  }
0x90: {  	s2 =	sld [smem:$0x3FC9]  }
0x91: {  	s18 =	sld [smem:$0x3FD0];
	(tm) =	ssettm $0x1  }
0x92: {  	s4 =	sld [smem:$0x3FFB];
	_ =	sdelay $0x3  }
0x93: {  	_ =	strace s4  }
0x94: {  	s4 =	sld [smem:$0x3FFC];
	_ =	sdelay $0x3  }
0x95: {  	_ =	strace s4  }
0x96: {  	s4 =	sld [smem:$0x3FFD];
	_ =	sdelay $0x3  }
0x97: {  	_ =	strace s4  }
0x98: {  	_ =	strace $0x8FFFFFFF  }
0x99: {  	s19 =	sld [smem:$0x3FDB];
	_ =	sdelay $0x1  }
0x9a: {  	s5 =	simm.s32 $_scs_section_size  }
0x9b: {  	s6 =	simm.s32 $_size__tile_overlayer_lowered;
	s7 =	simm.s32 $_tile_overlayer_lowered  }
0x9c: {  	s22 =	simm.s32 $0x1BFF;
	s21 =	sshll.u32 s7, $0x1;
	s4 =	sadd.s32 s5, s19  }
0x9d: {  	s8 =	simm.s32 $0x0;
	s20 =	sshll.u32 s6, $0x1;
	s6 =	sadd.s32 s21, s4  }
0x9e: {  	[timem:s8], [sflag:s22] =	dma.local [hbm:s6], s20  }
0x9f: {  	_ =	swait.ge [sflag:s22], s20  }
0xa0: {  	s5 =	ssub.s32 $0x0, s20;
	[sflag:s22] =	ssyncset.done $0x0  }
0xa1: {  	[sflag:s22] =	ssyncadd.s32 s5;
	_ =	sdelay $0x1  }
0xa2: {  	s23 =	simm.s32 $0x1B8B  }
0xa3: {  	_ =	swait.ge [sflag:s23], $0x1  }
0xa4: {  	[sflag:s23] =	ssyncset.done $0x0  }
0xa5: {  	s25 =	simm.s32 $0x1B8E;
	s24 =	sld [smem:$0x3FFE];
	[sflag:s23] =	ssyncadd.s32 $0xFFFFFFFF  }
0xa6: {  	s26 =	simm.s32 $execute0_lowered;
	[smem:$0x3FD2] =	sst s25  }
0xa7: {  	s6 =	sshll.u32 s26, $0x1;
	_ =	strace $0x80000046;
	[dreg:$0x1] =	wrdreg $0xFFFFFFFF  }
0xa8: {  	s28 =	simm.s32 $_size_execute0_lowered;
	s4 =	sadd.s32 s4, s6;
	[dreg:$0x0] =	wrdreg $0x0  }
0xa9: {  	s6 =	sshll.u32 s28, $0x1;
	[dreg:$0x2] =	wrdreg s4  }
0xaa: {  	[dreg:$0x3] =	wrdreg s6  }
0xab: {  	[dreg:$0x4] =	wrdreg $0xC0  }
0xac: {  	_ =	task [dreg:s8], $0x5FFFF  }
0xad: {  	[dreg:$0x1] =	wrdreg $0xFFFFFFFF  }
0xae: {  	[dreg:$0x0] =	wrdreg $0x60  }
0xaf: {  	[dreg:$0x2] =	wrdreg s2  }
0xb0: {  	[dreg:$0x3] =	wrdreg s24  }
0xb1: {  	[dreg:$0x4] =	wrdreg s18  }
0xb2: {  	[dreg:$0x5] =	wrdreg $0x9  }
0xb3: {  	_ =	task.clear_ibuf [dreg:s8], $0x6FFFF;
	_ =	strace $0x90000046  }
0xb4: {  	s29 =	simm.s32 $0x9;
	_ =	strace $0x80000048  }
0xb5: {  	_ =	swait.ge [sflag:s29], $0x1  }
0xb6: {  	[sflag:s29] =	ssyncadd.s32 $0xFFFFFFFF  }
0xb7: {  	_ =	strace $0x90000048  }
0xb8: {  	_ =	sfence  }
0xb9: {  	s30 =	sld [smem:$0x0];
	_ =	sdelay $0x2  }
0xba: {  	s31 =	sshll.u32 s1, $0xD;
	s1 =	sshrl.u32 s1, $0x2  }
0xbb: {  	s3 =	sand.u32 $0x4000, s31;
	s1 =	sadd.s32 s1, s30  }
0xbc: {  	s0 =	sor.u32 s3, s0;
	s1 =	sshll.u32 s1, $0x11  }
0xbd: {  	s0 =	sor.u32 s1, s0  }
0xbe: {  	s0 =	sadd.s32 $0x8F2B, s0  }
0xbf: {  	[sflag:s0] =	ssyncadd.remote.s32 $0x1  }
0xc0: {  	_ =	sfence.sel $0xFFFF  }
0xc1: {  	[dreg:$0x0] =	wrdreg $0xFFFFFFFF;
	(pc) =	sbr.abs _section_cstart, $3  }
0xc2: {  	[dreg:$0x1] =	wrdreg $0xFFFFFFFF  }
0xc3: {  	_ =	task.clear_ibuf [dreg:s8], $0x2FFFF;
	_ =	strace $0x9FFFFFFF  }
0xc4: {  	(tm) =	ssettm $0x7FFFFFFF  }
0xc5: {  	_ =	shalt  }
tec
execute0_lowered:
.L_overlay_start_1:
0x0: {  	(tag) =	ssettag $0x1  }
0x1: {  	s0 =	rddreg [dreg:$0x0]  }
0x2: {  	s2 =	rddreg [dreg:$0x1]  }
0x3: {  	s1 =	rddreg [dreg:$0x2];
	s3 =	simm.s32 $0x0  }
0x4: {  	s4 =	srdreg.scid;
	s5 =	stileid.u32;
	s15 =	simm.s32 $0x400  }
0x5: {  	s16 =	simm.s32 $0x8000;
	s17 =	simm.s32 $0x4;
	s18 =	simm.s32 $0x80  }
0x6: {  	s19 =	simm.s32 $0x6400;
	s25 =	simm.s32 $0x1;
	s26 =	simm.s32 $0x2  }
0x7: {  	s28 =	simm.s32 $0x16400;
	s29 =	simm.s32 $0x3;
	s30 =	simm.s32 $0x0  }
0x8: {  	[smem:$0x7FF] =	sst s3;
	s4 =	sand.u32 $0x1, s4;
	s5 =	sshll.u32 s5, $0xB  }
0x9: {  	v0 =	vlaneseq.u32;
	v2 =	vimm.f32 $8.000000000e+00;
	s9 =	sadd.s32 $0x500, s2;
	s10 =	sadd.s32 $0x580, s2;
	s11 =	sadd.s32 $0x600, s2  }
0xa: {  	s12 =	sadd.s32 $0x680, s2;
	s13 =	sadd.s32 $0x700, s2;
	v1 =	vmul.u32 $0x40, v0;
	v10 =	vor.u32 $0x10, v0;
	v11 =	vor.u32 $0x20, v0;
	s6 =	sshll.u32 s4, $0xA  }
0xb: {  	v12 =	vor.u32 $0x30, v0;
	v13 =	vor.u32 $0x40, v0;
	v14 =	vor.u32 $0x50, v0;
	_ =	strace $0x80000047;
	s7 =	ssub.s32 $0x2, s4;
	s5 =	sor.u32 s6, s5  }
0xc: {  	v15 =	vor.u32 $0x60, v0;
	v16 =	vor.u32 $0x70, v0;
	s4 =	sadd.s32 $0xF43000, s2;
	s8 =	sshrl.u32 s7, $0x1;
	v3 =	vor.u32 $0x400, v1;
	s31 =	sshrl.u32 s5, $0x3  }
0xd: {  	s6 =	sadd.s32 $0x400, s2;
	v4 =	vor.u32 $0x800, v1;
	v5 =	vor.u32 $0xC00, v1;
	v6 =	vor.u32 $0x1000, v1;
	s14 =	ssub.s32 s7, s8;
	s0 =	sadd.s32 s0, s31  }
0xe: {  	v7 =	vor.u32 $0x1400, v1;
	v8 =	vor.u32 $0x1800, v1;
	v9 =	vor.u32 $0x1C00, v1;
	s8 =	sadd.s32 $0x480, s2;
	s14 =	smax.u32 s14, $0x1;
	[dreg:$0x4] =	wrdreg s0  }
.LBB2_1:
0xf: {  	s0 =	rddreg [dreg:$0x4]  }
0x10: {  	[tilespmem:s3], [sflag:$0x4] =	stream.strided.gather [hbm4b:s0+s15], $0x6400, s16, s15, $0x38;
	[tilespmem:$0x1C400] =	vst v63  }
0x11: {  	_ =	swait.ge [sflag:s17], $0x6400  }
0x12: {  	[sflag:s17] =	ssyncset.done $0x0  }
0x13: {  	[sflag:s17] =	ssyncadd.s32 $0xFFFF9C00  }
0x14: {  	[tilespmem:s19], [sflag:$0x1] =	stream.indirect.gather [hbm4b:s4+s18], $0x40, s3, s18, $0xb8;
	[tilespmem:$0x1C400] =	vst v63  }
0x15: {  	s21 =	simm.s32 $0x1A400  }
0x16: {  	[tilespmem:s21], [sflag:$0x2] =	stream.linear.gather [hbm4b:s6+s3], $0x400, $0x38;
	[tilespmem:$0x1C400] =	vst v63  }
0x17: {  	s22 =	simm.s32 $0x8400  }
0x18: {  	[tilespmem:s22], [sflag:$0x1] =	stream.indirect.gather [hbm4b:s4+s18], $0x40, s18, s18, $0xb8;
	[tilespmem:$0x1C400] =	vst v63  }
0x19: {  	s23 =	simm.s32 $0x1A800  }
0x1a: {  	[tilespmem:s23], [sflag:$0x2] =	stream.linear.gather [hbm4b:s8+s3], $0x400, $0x38;
	[tilespmem:$0x1C400] =	vst v63  }
0x1b: {  	s24 =	simm.s32 $0x100;
	s2 =	simm.s32 $0xA400  }
0x1c: {  	[tilespmem:s2], [sflag:$0x1] =	stream.indirect.gather [hbm4b:s4+s18], $0x40, s24, s18, $0xb8;
	[tilespmem:$0x1C400] =	vst v63  }
0x1d: {  	s7 =	simm.s32 $0x1AC00  }
0x1e: {  	[tilespmem:s7], [sflag:$0x2] =	stream.linear.gather [hbm4b:s9+s3], $0x400, $0x38;
	[tilespmem:$0x1C400] =	vst v63  }
0x1f: {  	s20 =	simm.s32 $0x180;
	s21 =	simm.s32 $0xC400  }
0x20: {  	[tilespmem:s21], [sflag:$0x1] =	stream.indirect.gather [hbm4b:s4+s18], $0x40, s20, s18, $0xb8;
	[tilespmem:$0x1C400] =	vst v63  }
0x21: {  	s22 =	simm.s32 $0x1B000  }
0x22: {  	[tilespmem:s22], [sflag:$0x2] =	stream.linear.gather [hbm4b:s10+s3], $0x400, $0x38;
	[tilespmem:$0x1C400] =	vst v63  }
0x23: {  	s23 =	simm.s32 $0x200;
	s24 =	simm.s32 $0xE400  }
0x24: {  	[tilespmem:s24], [sflag:$0x1] =	stream.indirect.gather [hbm4b:s4+s18], $0x40, s23, s18, $0xb8;
	[tilespmem:$0x1C400] =	vst v63  }
0x25: {  	s2 =	simm.s32 $0x1B400  }
0x26: {  	[tilespmem:s2], [sflag:$0x2] =	stream.linear.gather [hbm4b:s11+s3], $0x400, $0x38;
	[tilespmem:$0x1C400] =	vst v63  }
0x27: {  	s7 =	simm.s32 $0x280;
	s20 =	simm.s32 $0x10400  }
0x28: {  	[tilespmem:s20], [sflag:$0x1] =	stream.indirect.gather [hbm4b:s4+s18], $0x40, s7, s18, $0xb8;
	[tilespmem:$0x1C400] =	vst v63  }
0x29: {  	s21 =	simm.s32 $0x1B800  }
0x2a: {  	[tilespmem:s21], [sflag:$0x2] =	stream.linear.gather [hbm4b:s12+s3], $0x400, $0x38;
	[tilespmem:$0x1C400] =	vst v63  }
0x2b: {  	s22 =	simm.s32 $0x300;
	s23 =	simm.s32 $0x12400  }
0x2c: {  	[tilespmem:s23], [sflag:$0x1] =	stream.indirect.gather [hbm4b:s4+s18], $0x40, s22, s18, $0xb8;
	[tilespmem:$0x1C400] =	vst v63  }
0x2d: {  	s31 =	simm.s32 $0x0;
	s0 =	simm.s32 $0x0;
	s24 =	simm.s32 $0x1BC00  }
0x2e: {  	[tilespmem:s24], [sflag:$0x2] =	stream.linear.gather [hbm4b:s13+s3], $0x400, $0x38;
	[tilespmem:$0x1C400] =	vst v63  }
.LBB2_2:
0x2f: {  	p0 =	sgt.u32 s0, $0xC0  }
0x30: {  	s2 =	sadd.s32 @!p0 $0x7, s0  }
0x31: {  	s20 =	sand.u32 @!p0 $0x7, s2  }
0x32: {  	s23 =	simm.s32 @!p0 $0x80;
	s2 =	sshll.u32 @!p0 s2, $0x7;
	s21 =	sshll.u32 @!p0 s20, $0xD  }
0x33: {  	s22 =	sand.u32 @!p0 $0xFF80, s2;
	s20 =	sshll.u32 @!p0 s20, $0xA;
	s21 =	sadd.s32 @!p0 $0x6400, s21  }
0x34: {  	[tilespmem:s21], [sflag:$0x1] =	stream.indirect.gather @!p0 [hbm4b:s4+s23], $0x40, s22, s23, $0xb8;
	[tilespmem:$0x1C400] =	vst v63  }
0x35: {  	s2 =	sadd.s32 @!p0 s6, s2;
	s20 =	sadd.s32 @!p0 $0x1A400, s20;
	s21 =	simm.s32 @!p0 $0x0  }
0x36: {  	[tilespmem:s20], [sflag:$0x2] =	stream.linear.gather @!p0 [hbm4b:s2+s21], $0x400, $0x38;
	[tilespmem:$0x1C400] =	vst v63  }
0x37: {  	_ =	swait.ge [sflag:s25], $0x2000  }
0x38: {  	[sflag:s25] =	ssyncset.done $0x0  }
0x39: {  	[sflag:s25] =	ssyncadd.s32 $0xFFFFE000  }
0x3a: {  	_ =	swait.ge [sflag:s26], $0x400  }
0x3b: {  	p0 =	slt.u32 s0, $0x2;
	[sflag:s26] =	ssyncset.done $0x0  }
0x3c: {  	s2 =	simm.s32 @!p0 $0x3;
	[sflag:s26] =	ssyncadd.s32 $0xFFFFFC00  }
0x3d: {  	s24 =	sshll.u32 s0, $0x7;
	_ =	swait.ge @!p0 [sflag:s2], $0x2000  }
0x3e: {  	s7 =	sand.u32 $0x3FFFFF80, s24;
	[sflag:s2] =	ssyncset.done @!p0 $0x0  }
0x3f: {  	s22 =	sand.u32 $0x7, s0;
	s23 =	simm.s32 $0x0;
	[sflag:s2] =	ssyncadd.s32 @!p0 $0xFFFFE000  }
0x40: {  	v30 =	vadd.s32 s23, v0;
	s20 =	sshll.u32 s22, $0xD;
	v17 =	vld [tilespmem:s7+$0x0]  }
0x41: {  	v31 =	vand.u32 $0x3F, v30;
	v29 =	vor.u32 s20, v5;
	v18 =	vld [tilespmem:s7+$0x10]  }
0x42: {  	v27 =	vor.u32 s20, v6;
	v38 =	vor.u32 v29, v31;
	v24 =	vld [tilespmem:s7+$0x40]  }
0x43: {  	s24 =	sand.u32 $0x1, s0;
	v37 =	vshll.u32 v30, $0x7;
	v23 =	vor.u32 s20, v3;
	v39 =	vor.u32 v27, v31;
	v20 =	vld [tilespmem:s7+$0x20]  }
0x44: {  	v32 =	vor.u32 s20, v1;
	v28 =	vor.u32 s20, v7;
	v37 =	vand.u32 $0x1F80, v37;
	s2 =	sshll.u32 s24, $0xD;
	v22 =	vld [tilespmem:s7+$0x30]  }
0x45: {  	v33 =	vor.u32 v23, v31;
	v34 =	vor.u32 v32, v31;
	s24 =	simm.s32 $0x1;
	v25 =	vld [tilespmem:s7+$0x50];
	v30 =	vmov s2  }
0x46: {  	v40 =	vor.u32 v28, v31;
	v26 =	vld [tilespmem:s7+$0x60];
	v56 =	vadd.s32 s24, v0;
	v42 =	vor.u32 v30, v37  }
0x47: {  	v49 =	vld.idx.msk [tilespmem:v38+s19+$0x0], $0xffff;
	v38 =	vand.u32 $0x3F, v56;
	vm12 =	veq.s32 v24, $0x0;
	v24 =	vor.u32 s20, v4  }
0x48: {  	v51 =	vld.idx.msk [tilespmem:v39+s19+$0x0], $0xffff;
	v39 =	vshll.u32 v56, $0x7;
	v43 =	vor.u32 v0, v42;
	v35 =	vor.u32 v24, v31  }
0x49: {  	v36 =	vld [tilespmem:s7+$0x70];
	s7 =	sand.u32 $0x7, s31;
	v44 =	vor.u32 v10, v42;
	v45 =	vor.u32 v11, v42;
	v37 =	vor.u32 v16, v42  }
0x4a: {  	v33 =	vld.idx.msk [tilespmem:v33+s19+$0x0], $0xffff;
	s23 =	sshll.u32 s7, $0xA;
	v47 =	vor.u32 v14, v42;
	v48 =	vor.u32 v15, v42;
	vm13 =	veq.s32 v25, $0x0  }
0x4b: {  	v34 =	vld.idx.msk [tilespmem:v34+s19+$0x0], $0xffff;
	vm14 =	veq.s32 v26, $0x0;
	v26 =	vor.u32 s20, v8;
	v25 =	vor.u32 s20, v9;
	s20 =	sadd.s32 $0x1A410, s23  }
0x4c: {  	v50 =	vor.u32 v12, v42;
	v42 =	vor.u32 v13, v42;
	v41 =	vor.u32 v26, v31;
	v46 =	vld [tilespmem:s20+$0xFFFFFFF0]  }
0x4d: {  	v57 =	vand.u32 $0x1F80, v39;
	v39 =	vor.u32 v32, v38;
	v31 =	vor.u32 v25, v31;
	v35 =	vld.idx.msk [tilespmem:v35+s19+$0x0], $0xffff  }
0x4e: {  	vm0 =	veq.s32 v17, $0x0;
	vm1 =	veq.s32 v18, $0x0;
	vm10 =	veq.s32 v20, $0x0  }
0x4f: {  	v40 =	vld.idx.msk [tilespmem:v40+s19+$0x0], $0xffff;
	vm11 =	veq.s32 v22, $0x0;
	v21 =	vsel vm0, $0x0, v2;
	v19 =	vsel vm1, $0x0, v2  }
0x50: {  	v17 =	vsel vm10, $0x0, v2;
	v18 =	vsel vm11, $0x0, v2;
	v52 =	vmul.f32 v34, v21  }
0x51: {  	v22 =	vsel vm12, $0x0, v2;
	v20 =	vsel vm13, $0x0, v2;
	v33 =	vmul.f32 v33, v19;
	v53 =	vld.idx.msk [tilespmem:v41+s19+$0x0], $0xffff  }
0x52: {  	v34 =	vor.u32 v30, v57;
	v54 =	vld.idx.msk [tilespmem:v31+s19+$0x0], $0xffff;
	v52 =	vadd.f32 v52, v46;
	v35 =	vmul.f32 v35, v17  }
0x53: {  	v49 =	vmul.f32 v49, v18;
	v51 =	vmul.f32 v51, v22;
	v33 =	vadd.f32 v33, v46  }
0x54: {  	vm15 =	veq.s32 v36, $0x0;
	v40 =	vmul.f32 v40, v20;
	[tilespmem:v43+s28+$0x0] =	vst.idx.msk $0xffff, v52;
	v35 =	vadd.f32 v35, v46  }
0x55: {  	v41 =	vor.u32 v23, v38;
	v31 =	vsel vm14, $0x0, v2;
	v58 =	vadd.f32 v49, v46;
	[tilespmem:v44+s28+$0x0] =	vst.idx.msk $0xffff, v33  }
0x56: {  	v59 =	vadd.f32 v51, v46;
	v33 =	vsel vm15, $0x0, v2;
	v60 =	vmul.f32 v53, v31;
	[tilespmem:v45+s28+$0x0] =	vst.idx.msk $0xffff, v35  }
0x57: {  	s21 =	simm.s32 $0x2;
	v61 =	vadd.f32 v40, v46;
	v62 =	vmul.f32 v54, v33;
	[tilespmem:v50+s28+$0x0] =	vst.idx.msk $0xffff, v58  }
0x58: {  	v63 =	vadd.s32 s21, v0;
	v43 =	vor.u32 v29, v38;
	v49 =	vadd.f32 v60, v46;
	[tilespmem:v42+s28+$0x0] =	vst.idx.msk $0xffff, v59  }
0x59: {  	v44 =	vor.u32 v24, v38;
	v45 =	vadd.f32 v62, v46;
	v42 =	vand.u32 $0x3F, v63;
	[tilespmem:v47+s28+$0x0] =	vst.idx.msk $0xffff, v61  }
0x5a: {  	s23 =	simm.s32 $0x4;
	s22 =	smov.u32 s20;
	v40 =	vshll.u32 v63, $0x7;
	v35 =	vor.u32 v32, v42;
	v36 =	vor.u32 v23, v42;
	[tilespmem:v48+s28+$0x0] =	vst.idx.msk $0xffff, v49  }
.LBB2_3:
0x5b: {  	p0 =	slt.u32 s23, $0x3E  }
0x5c: {  	v46 =	vor.u32 v24, v42;
	v47 =	vor.u32 v29, v42;
	[tilespmem:v37+s28+$0x0] =	vst.idx.msk $0xffff, v45;
	s20 =	sadd.s32 $0x20, s20;
	s24 =	smov.u32 s23;
	s23 =	sadd.s32 $0x2, s23  }
0x5d: {  	v45 =	vor.u32 v27, v42;
	v48 =	vor.u32 v28, v42;
	v37 =	vld.idx.msk [tilespmem:v39+s19+$0x0], $0xffff;
	v39 =	vor.u32 v27, v38  }
0x5e: {  	v49 =	vor.u32 v26, v42;
	v42 =	vor.u32 v25, v42;
	v50 =	vor.u32 v28, v38;
	v41 =	vld.idx.msk [tilespmem:v41+s19+$0x0], $0xffff  }
0x5f: {  	v51 =	vor.u32 v26, v38;
	v44 =	vld.idx.msk [tilespmem:v44+s19+$0x0], $0xffff  }
0x60: {  	v38 =	vor.u32 v25, v38;
	v52 =	vld [tilespmem:s22+$0x0];
	s22 =	smov.u32 s20  }
0x61: {  	v53 =	vor.u32 v16, v34;
	v43 =	vld.idx.msk [tilespmem:v43+s19+$0x0], $0xffff  }
0x62: {  	v54 =	vor.u32 v0, v34;
	v55 =	vor.u32 v13, v34;
	v56 =	vor.u32 v14, v34;
	v39 =	vld.idx.msk [tilespmem:v39+s19+$0x0], $0xffff  }
0x63: {  	v40 =	vand.u32 $0x1F80, v40;
	v57 =	vor.u32 v10, v34;
	v37 =	vmul.f32 v37, v21;
	v50 =	vld.idx.msk [tilespmem:v50+s19+$0x0], $0xffff  }
0x64: {  	v58 =	vor.u32 v11, v34;
	v40 =	vor.u32 v30, v40;
	v41 =	vmul.f32 v41, v19;
	v51 =	vld.idx.msk [tilespmem:v51+s19+$0x0], $0xffff  }
0x65: {  	v59 =	vor.u32 v0, v40;
	v44 =	vmul.f32 v44, v17;
	v38 =	vld.idx.msk [tilespmem:v38+s19+$0x0], $0xffff;
	v37 =	vadd.f32 v37, v52  }
0x66: {  	v61 =	vor.u32 v12, v34;
	v60 =	vor.u32 v10, v40;
	v41 =	vadd.f32 v41, v52  }
0x67: {  	v62 =	vor.u32 v11, v40;
	v43 =	vmul.f32 v43, v18;
	[tilespmem:v54+s28+$0x0] =	vst.idx.msk $0xffff, v37  }
0x68: {  	v37 =	vadd.f32 v44, v52;
	v39 =	vmul.f32 v39, v22;
	[tilespmem:v57+s28+$0x0] =	vst.idx.msk $0xffff, v41  }
0x69: {  	v34 =	vor.u32 v15, v34;
	v41 =	vadd.f32 v43, v52;
	v43 =	vmul.f32 v50, v20  }
0x6a: {  	v39 =	vadd.f32 v39, v52;
	v44 =	vmul.f32 v51, v31;
	[tilespmem:v58+s28+$0x0] =	vst.idx.msk $0xffff, v37  }
0x6b: {  	v37 =	vadd.f32 v43, v52;
	v38 =	vmul.f32 v38, v33;
	[tilespmem:v61+s28+$0x0] =	vst.idx.msk $0xffff, v41  }
0x6c: {  	v41 =	vadd.f32 v44, v52;
	[tilespmem:v55+s28+$0x0] =	vst.idx.msk $0xffff, v39  }
0x6d: {  	v38 =	vadd.f32 v38, v52;
	[tilespmem:v56+s28+$0x0] =	vst.idx.msk $0xffff, v37  }
0x6e: {  	v37 =	vor.u32 v16, v40;
	[tilespmem:v34+s28+$0x0] =	vst.idx.msk $0xffff, v41  }
0x6f: {  	v50 =	vor.u32 v14, v40;
	v51 =	vor.u32 v15, v40;
	[tilespmem:v53+s28+$0x0] =	vst.idx.msk $0xffff, v38  }
0x70: {  	v52 =	vor.u32 v12, v40;
	v36 =	vld.idx.msk [tilespmem:v36+s19+$0x0], $0xffff  }
0x71: {  	v40 =	vor.u32 v13, v40;
	v47 =	vld.idx.msk [tilespmem:v47+s19+$0x0], $0xffff  }
0x72: {  	s7 =	sadd.s32 $0x1, s21;
	s21 =	smov.u32 s24;
	v35 =	vld.idx.msk [tilespmem:v35+s19+$0x0], $0xffff  }
0x73: {  	v34 =	vadd.s32 s7, v0;
	v45 =	vld.idx.msk [tilespmem:v45+s19+$0x0], $0xffff  }
0x74: {  	v38 =	vand.u32 $0x3F, v34;
	v34 =	vshll.u32 v34, $0x7;
	v46 =	vld.idx.msk [tilespmem:v46+s19+$0x0], $0xffff  }
0x75: {  	v34 =	vand.u32 $0x1F80, v34;
	v53 =	vld [tilespmem:s20+$0xFFFFFFF0]  }
0x76: {  	v39 =	vor.u32 v32, v38;
	v34 =	vor.u32 v30, v34  }
0x77: {  	v41 =	vor.u32 v23, v38;
	v48 =	vld.idx.msk [tilespmem:v48+s19+$0x0], $0xffff  }
0x78: {  	v44 =	vor.u32 v24, v38;
	v43 =	vor.u32 v29, v38;
	v35 =	vmul.f32 v35, v21;
	v49 =	vld.idx.msk [tilespmem:v49+s19+$0x0], $0xffff  }
0x79: {  	v36 =	vmul.f32 v36, v19;
	v45 =	vmul.f32 v45, v22;
	v42 =	vld.idx.msk [tilespmem:v42+s19+$0x0], $0xffff  }
0x7a: {  	v46 =	vmul.f32 v46, v17;
	v35 =	vadd.f32 v35, v53  }
0x7b: {  	v47 =	vmul.f32 v47, v18;
	v36 =	vadd.f32 v36, v53  }
0x7c: {  	v46 =	vadd.f32 v46, v53;
	[tilespmem:v59+s28+$0x0] =	vst.idx.msk $0xffff, v35  }
0x7d: {  	v35 =	vadd.f32 v47, v53;
	v47 =	vmul.f32 v48, v20;
	[tilespmem:v60+s28+$0x0] =	vst.idx.msk $0xffff, v36  }
.Ltmp0:
0x7e: {  	v36 =	vadd.f32 v45, v53;
	v45 =	vmul.f32 v49, v31;
	[tilespmem:v62+s28+$0x0] =	vst.idx.msk $0xffff, v46;
	(pc) =	sbr.rel @p0 .LBB2_3-.Ltmp0, $4  }
0x7f: {  	v46 =	vadd.f32 v47, v53;
	v47 =	vmul.f32 v42, v33;
	[tilespmem:v52+s28+$0x0] =	vst.idx.msk $0xffff, v35  }
0x80: {  	v35 =	vadd.s32 s21, v0;
	v48 =	vadd.f32 v45, v53;
	[tilespmem:v40+s28+$0x0] =	vst.idx.msk $0xffff, v36  }
0x81: {  	v42 =	vand.u32 $0x3F, v35;
	v40 =	vshll.u32 v35, $0x7;
	v45 =	vadd.f32 v47, v53;
	[tilespmem:v50+s28+$0x0] =	vst.idx.msk $0xffff, v46  }
0x82: {  	v35 =	vor.u32 v32, v42;
	v36 =	vor.u32 v23, v42;
	[tilespmem:v51+s28+$0x0] =	vst.idx.msk $0xffff, v48  }
0x83: {  	_ =	sdelay $0x3  }
0x84: {  	[tilespmem:v37+s28+$0x0] =	vst.idx.msk $0xffff, v45  }
0x85: {  	v37 =	vld.idx.msk [tilespmem:v39+s19+$0x0], $0xffff  }
0x86: {  	v58 =	vor.u32 v27, v38;
	v41 =	vld.idx.msk [tilespmem:v41+s19+$0x0], $0xffff  }
0x87: {  	v59 =	vor.u32 v28, v38;
	v47 =	vld [tilespmem:s22+$0x0]  }
0x88: {  	v46 =	vor.u32 v26, v38;
	v44 =	vld.idx.msk [tilespmem:v44+s19+$0x0], $0xffff  }
0x89: {  	v60 =	vor.u32 v25, v38;
	v43 =	vld.idx.msk [tilespmem:v43+s19+$0x0], $0xffff;
	_ =	sdelay $0x1  }
0x8a: {  	v48 =	vor.u32 v0, v34;
	v49 =	vor.u32 v10, v34;
	v39 =	vld.idx.msk [tilespmem:v58+s19+$0x0], $0xffff  }
0x8b: {  	v50 =	vor.u32 v16, v34;
	v51 =	vor.u32 v13, v34;
	v45 =	vld.idx.msk [tilespmem:v59+s19+$0x0], $0xffff;
	v37 =	vmul.f32 v37, v21  }
0x8c: {  	v52 =	vor.u32 v11, v34;
	v46 =	vld.idx.msk [tilespmem:v46+s19+$0x0], $0xffff;
	v41 =	vmul.f32 v41, v19;
	v44 =	vmul.f32 v44, v17  }
0x8d: {  	v53 =	vor.u32 v12, v34;
	v38 =	vld.idx.msk [tilespmem:v60+s19+$0x0], $0xffff;
	v43 =	vmul.f32 v43, v18;
	v37 =	vadd.f32 v37, v47  }
0x8e: {  	v54 =	vor.u32 v14, v34;
	v41 =	vadd.f32 v41, v47;
	v61 =	vadd.f32 v44, v47  }
0x8f: {  	v62 =	vadd.f32 v43, v47;
	[tilespmem:v48+s28+$0x0] =	vst.idx.msk $0xffff, v37;
	v39 =	vmul.f32 v39, v22  }
0x90: {  	v63 =	vmul.f32 v45, v20;
	v48 =	vor.u32 v15, v34;
	[tilespmem:v49+s28+$0x0] =	vst.idx.msk $0xffff, v41  }
0x91: {  	v49 =	vmul.f32 v46, v31;
	v39 =	vadd.f32 v39, v47;
	[tilespmem:v52+s28+$0x0] =	vst.idx.msk $0xffff, v61  }
0x92: {  	v38 =	vmul.f32 v38, v33;
	v52 =	vadd.f32 v63, v47;
	[tilespmem:v53+s28+$0x0] =	vst.idx.msk $0xffff, v62  }
0x93: {  	v55 =	vadd.f32 v49, v47;
	[tilespmem:v51+s28+$0x0] =	vst.idx.msk $0xffff, v39  }
0x94: {  	v56 =	vor.u32 v24, v42;
	v38 =	vadd.f32 v38, v47;
	[tilespmem:v54+s28+$0x0] =	vst.idx.msk $0xffff, v52  }
0x95: {  	[tilespmem:v48+s28+$0x0] =	vst.idx.msk $0xffff, v55  }
0x96: {  	v57 =	vor.u32 v29, v42;
	[tilespmem:v50+s28+$0x0] =	vst.idx.msk $0xffff, v38  }
0x97: {  	v58 =	vor.u32 v27, v42;
	v36 =	vld.idx.msk [tilespmem:v36+s19+$0x0], $0xffff  }
0x98: {  	v59 =	vor.u32 v28, v42;
	v35 =	vld.idx.msk [tilespmem:v35+s19+$0x0], $0xffff  }
0x99: {  	s7 =	sadd.s32 $0x20, s20;
	v40 =	vand.u32 $0x1F80, v40;
	v60 =	vor.u32 v26, v42;
	v39 =	vld.idx.msk [tilespmem:v56+s19+$0x0], $0xffff  }
0x9a: {  	v40 =	vor.u32 v30, v40;
	v61 =	vor.u32 v25, v42;
	v43 =	vld [tilespmem:s7+$0xFFFFFFF0]  }
0x9b: {  	v46 =	vor.u32 v11, v40;
	v63 =	vor.u32 v10, v40;
	v34 =	vld.idx.msk [tilespmem:v57+s19+$0x0], $0xffff  }
0x9c: {  	v62 =	vor.u32 v0, v40;
	v47 =	vor.u32 v16, v40;
	v56 =	vor.u32 v14, v40;
	v37 =	vld.idx.msk [tilespmem:v58+s19+$0x0], $0xffff  }
0x9d: {  	s23 =	sadd.s32 $0x1, s21;
	v57 =	vor.u32 v15, v40;
	v58 =	vor.u32 v12, v40;
	v38 =	vld.idx.msk [tilespmem:v59+s19+$0x0], $0xffff;
	v35 =	vmul.f32 v35, v21  }
0x9e: {  	v40 =	vor.u32 v13, v40;
	v59 =	vadd.s32 s23, v0;
	v41 =	vld.idx.msk [tilespmem:v60+s19+$0x0], $0xffff;
	v36 =	vmul.f32 v36, v19  }
0x9f: {  	v42 =	vld.idx.msk [tilespmem:v61+s19+$0x0], $0xffff;
	v60 =	vand.u32 $0x3F, v59;
	v39 =	vmul.f32 v39, v17;
	v35 =	vadd.f32 v35, v43  }
0xa0: {  	v32 =	vor.u32 v32, v60;
	v34 =	vmul.f32 v34, v18;
	v36 =	vadd.f32 v36, v43  }
0xa1: {  	v37 =	vmul.f32 v37, v22;
	v39 =	vadd.f32 v39, v43;
	[tilespmem:v62+s28+$0x0] =	vst.idx.msk $0xffff, v35  }
0xa2: {  	v61 =	vmul.f32 v38, v20;
	v34 =	vadd.f32 v34, v43;
	[tilespmem:v63+s28+$0x0] =	vst.idx.msk $0xffff, v36  }
0xa3: {  	v62 =	vadd.f32 v37, v43;
	v63 =	vmul.f32 v41, v31;
	[tilespmem:v46+s28+$0x0] =	vst.idx.msk $0xffff, v39  }
0xa4: {  	v35 =	vadd.f32 v61, v43;
	v41 =	vmul.f32 v42, v33;
	[tilespmem:v58+s28+$0x0] =	vst.idx.msk $0xffff, v34  }
0xa5: {  	v23 =	vor.u32 v23, v60;
	v42 =	vadd.f32 v63, v43;
	[tilespmem:v40+s28+$0x0] =	vst.idx.msk $0xffff, v62  }
0xa6: {  	v44 =	vadd.f32 v41, v43;
	[tilespmem:v56+s28+$0x0] =	vst.idx.msk $0xffff, v35  }
0xa7: {  	v45 =	vor.u32 v24, v60;
	[tilespmem:v57+s28+$0x0] =	vst.idx.msk $0xffff, v42  }
0xa8: {  	v46 =	vor.u32 v29, v60;
	[tilespmem:v47+s28+$0x0] =	vst.idx.msk $0xffff, v44  }
0xa9: {  	v47 =	vor.u32 v27, v60;
	v32 =	vld.idx.msk [tilespmem:v32+s19+$0x0], $0xffff  }
0xaa: {  	v49 =	vor.u32 v28, v60;
	v23 =	vld.idx.msk [tilespmem:v23+s19+$0x0], $0xffff  }
0xab: {  	v48 =	vshll.u32 v59, $0x7;
	v50 =	vor.u32 v26, v60;
	v35 =	vld [tilespmem:s7+$0x0]  }
0xac: {  	v53 =	vor.u32 v25, v60;
	v34 =	vand.u32 $0x1F80, v48;
	v24 =	vld.idx.msk [tilespmem:v45+s19+$0x0], $0xffff  }
0xad: {  	v51 =	vor.u32 v30, v34;
	v29 =	vld.idx.msk [tilespmem:v46+s19+$0x0], $0xffff  }
0xae: {  	v34 =	vor.u32 v0, v51;
	v55 =	vor.u32 v10, v51;
	v27 =	vld.idx.msk [tilespmem:v47+s19+$0x0], $0xffff  }
0xaf: {  	v56 =	vor.u32 v16, v51;
	v58 =	vor.u32 v11, v51;
	v28 =	vld.idx.msk [tilespmem:v49+s19+$0x0], $0xffff;
	v54 =	vmul.f32 v32, v21  }
0xb0: {  	v59 =	vor.u32 v12, v51;
	v62 =	vor.u32 v15, v51;
	v26 =	vld.idx.msk [tilespmem:v50+s19+$0x0], $0xffff;
	v19 =	vmul.f32 v23, v19  }
0xb1: {  	v57 =	vor.u32 v13, v51;
	v25 =	vld.idx.msk [tilespmem:v53+s19+$0x0], $0xffff;
	v17 =	vmul.f32 v24, v17;
	v21 =	vadd.f32 v54, v35  }
0xb2: {  	v60 =	vor.u32 v14, v51;
	v18 =	vmul.f32 v29, v18;
	v19 =	vadd.f32 v19, v35  }
0xb3: {  	v17 =	vadd.f32 v17, v35;
	[tilespmem:v34+s28+$0x0] =	vst.idx.msk $0xffff, v21;
	v61 =	vmul.f32 v27, v22  }
0xb4: {  	v18 =	vadd.f32 v18, v35;
	[tilespmem:v55+s28+$0x0] =	vst.idx.msk $0xffff, v19;
	v19 =	vmul.f32 v28, v20  }
0xb5: {  	s24 =	sshll.u32 s0, $0x12;
	s0 =	sadd.s32 $0x1, s0;
	v63 =	vmul.f32 v26, v31;
	v21 =	vadd.f32 v61, v35;
	[tilespmem:v58+s28+$0x0] =	vst.idx.msk $0xffff, v17  }
0xb6: {  	p0 =	sne.s32 s0, $0xC8;
	v17 =	vadd.f32 v19, v35;
	v19 =	vmul.f32 v25, v33;
	[tilespmem:v59+s28+$0x0] =	vst.idx.msk $0xffff, v18  }
.Ltmp1:
0xb7: {  	v18 =	vadd.f32 v63, v35;
	[tilespmem:v57+s28+$0x0] =	vst.idx.msk $0xffff, v21;
	(pc) =	sbr.rel @p0 .LBB2_2-.Ltmp1, $4  }
0xb8: {  	s7 =	sor.u32 s5, s24;
	v19 =	vadd.f32 v19, v35;
	[tilespmem:v60+s28+$0x0] =	vst.idx.msk $0xffff, v17  }
0xb9: {  	s7 =	sshrl.u32 s7, $0x3;
	[tilespmem:v62+s28+$0x0] =	vst.idx.msk $0xffff, v18  }
0xba: {  	s2 =	sadd.s32 $0x16400, s2;
	s31 =	sadd.s32 $0x1, s31;
	s7 =	sadd.s32 s1, s7;
	[tilespmem:v56+s28+$0x0] =	vst.idx.msk $0xffff, v19  }
0xbb: {  	[hbm4b:s7+s15] =	stream.strided.scatter [tilespmem:s2], [sflag:$0x3], $0x2000, s16, s15, $0x38;
	[tilespmem:$0x1C400] =	vst v63  }
0xbc: {  	s30 =	sadd.s32 $0x1, s30  }
0xbd: {  	_ =	swait.ge [sflag:s29], $0x2000;
	p0 =	sne.s32 s30, s14  }
.Ltmp2:
0xbe: {  	[sflag:s29] =	ssyncset.done $0x0;
	(pc) =	sbr.rel @p0 .LBB2_1-.Ltmp2, $4  }
0xbf: {  	[sflag:s29] =	ssyncadd.s32 $0xFFFFE000  }
0xc0: {  	_ =	swait.ge [sflag:s29], $0x2000  }
0xc1: {  	[sflag:s29] =	ssyncset.done $0x0  }
0xc2: {  	[sflag:s29] =	ssyncadd.s32 $0xFFFFE000  }
0xc3: {  	_ =	sfence.sel $0x180000  }
0xc4: {  	[bflag:$0x0] =	sbarrier.arrive $0xFFFF  }
0xc5: {  	_ =	strace $0x90000047  }
0xc6: {  	s0 =	stileid.u32;
	[bflag:$0x2] =	sbarrier.arrive $0xFFFF  }
0xc7: {  	p0 =	sne.s32 s0, $0x0;
	s0 =	rddreg [dreg:$0x3]  }
0xc8: {  	s0 =	sadd.s32 @!p0 $0x100000, s0  }
0xc9: {  	[sflag:s0] =	ssyncadd.tile.s32 @!p0 $0x1;
	_ =	shalt  }
.Lfunc_end2:
_tile_overlayer_lowered:
.L_overlay_start_2:
0xca: {  	(tag) =	ssettag $0x2  }
0xcb: {  	s0 =	rddreg [dreg:$0x0];
	s2 =	stileid.u32  }
0xcc: {  	s1 =	rddreg [dreg:$0x1];
	p0 =	sne.s32 s2, $0x0  }
0xcd: {  	s3 =	rddreg [dreg:$0x2];
	[bflag:$0x3] =	sbarrier.arrive $0xFFFF;
	s2 =	simm.s32 @!p0 $0x1C04  }
0xce: {  	[timem:s3], [sflag:s2] =	dma.local @!p0 [hbm:s0], s1  }
0xcf: {  	s0 =	simm.s32 @!p0 $0x4  }
0xd0: {  	_ =	swait.ge @!p0 [sflag:s0], s1  }
0xd1: {  	s1 =	ssub.s32 @!p0 $0x0, s1;
	[sflag:s0] =	ssyncset.done @!p0 $0x0  }
0xd2: {  	[sflag:s0] =	ssyncadd.s32 @!p0 s1  }
0xd3: {  	[bflag:$0x3] =	sbarrier.arrive $0xFFFF  }
0xd4: {  	_ =	shalt  }

</sc_bundles>
